<compile_context>
chip_gen: v7x
topology: tpu7x:2x2x1
jax: 0.10.2.dev20260603
libtpu: 0.0.44.dev20260713+nightly
codegen_flags: <defaults>
</compile_context>

<pallas_src>
import functools

import jax
import jax.numpy as jnp
from jax import lax
from jax.experimental import pallas as pl
from jax.experimental.pallas import tpu as pltpu
from jax.experimental.pallas import tpu_sc as plsc

_K = 16
_NBUF = 4


@functools.cache
def _build(R, C, V, D, NC, NS):
    NW = NC * NS
    B = R * C
    b_per_w = B // NW
    n_chunks = b_per_w // _K
    n_main_groups = n_chunks // _NBUF - 1
    w_per_r = C // b_per_w

    mesh = plsc.VectorSubcoreMesh(core_axis_name="c", subcore_axis_name="s")

    @functools.partial(
        pl.kernel,
        mesh=mesh,
        out_type=jax.ShapeDtypeStruct((R, C, D), jnp.float32),
        scratch_types=[
            pltpu.VMEM((b_per_w,), jnp.int32),
            pltpu.VMEM((_NBUF, _K, D), jnp.float32),
            pltpu.SemaphoreType.DMA((_NBUF,)),
            pltpu.SemaphoreType.DMA((_NBUF,)),
        ],
    )
    def emb(idx_hbm, table_hbm, out_hbm, idx_v, rows_v, sem_in, sem_out):
        wid = lax.axis_index("s") * NC + lax.axis_index("c")
        row = wid // w_per_r
        col = (wid % w_per_r) * b_per_w
        pltpu.sync_copy(idx_hbm.at[row, pl.ds(col, b_per_w)], idx_v)

        def ids(g):
            return idx_v[pl.ds(g * _K, _K)]

        def gather(g, b):
            return pltpu.async_copy(
                table_hbm.at[ids(g)], rows_v.at[b], sem_in.at[b])

        def put(g, b):
            return pltpu.async_copy(
                rows_v.at[b], out_hbm.at[row, pl.ds(col + g * _K, _K)],
                sem_out.at[b])

        def step(g, b, refill):
            pltpu.make_async_copy(
                table_hbm.at[ids(g)], rows_v.at[b], sem_in.at[b]).wait()
            put(g, b).wait()
            if refill:
                gather(g + _NBUF, b)

        for b in range(_NBUF):
            gather(b, b)

        def group(j, _):
            for b in range(_NBUF):
                step(j * _NBUF + b, b, refill=True)
            return 0

        lax.fori_loop(0, n_main_groups, group, 0)
        for g in range(n_main_groups * _NBUF, n_chunks):
            step(g, g % _NBUF, refill=(g + _NBUF < n_chunks))

    return emb


def kernel(input_ids, embedding_table):
    R, C = input_ids.shape
    V, D = embedding_table.shape
    info = plsc.get_sparse_core_info()
    return _build(R, C, V, D, info.num_cores, info.num_subcores)(
        input_ids.astype(jnp.int32), embedding_table)

# --- scband reference (transcript-rebuilt; emitter-appended) ---
"""Pipeline reference for scband-token-embedding-32710470926759 (READ-ONLY COPY).

The authoritative reference and input builder live on the scoring server;
editing this copy changes nothing except your own understanding.
"""

import jax, jax.numpy as jnp
import numpy as np

VOCAB_SIZE = 100000
EMBED_DIM = 1024

def setup_inputs(seed: int = 0) -> dict:
    key = jax.random.key(seed)
    k_ids, k_tab = jax.random.split(key)
    input_ids = jax.random.randint(k_ids, (4, 4096), 0, VOCAB_SIZE, dtype=jnp.int64 if jax.config.jax_enable_x64 else jnp.int32)
    # nn.Embedding default init: N(0, 1)
    embedding_table = jax.random.normal(k_tab, (VOCAB_SIZE, EMBED_DIM), dtype=jnp.float32)
    return {"input_ids": input_ids, "embedding_table": embedding_table}

def reference(input_ids, embedding_table):
    # Faithful translation of nn.Embedding lookup: gather rows of the table.
    return jnp.take(embedding_table, input_ids, axis=0)

if __name__ == "__main__":
    import jax
    _d = setup_inputs()
    print(jax.jit(kernel)(*tuple(_d.values())))

</pallas_src>

<mosaic_0001>
#map = affine_map<(d0, d1) -> (0, 0)>
#map1 = affine_map<(d0, d1) -> (0, 0, 0)>
module attributes {stable_mosaic.version = 14 : i64} {
  func.func @emb(%arg0: i32, %arg1: i32, %arg2: memref<4x4096xi32, #tpu.memory_space<hbm>>, %arg3: memref<100000x1024xf32, #tpu.memory_space<hbm>>, %arg4: memref<4x4096x1024xf32, #tpu.memory_space<hbm>>, %arg5: memref<512xi32, #tpu.memory_space<vmem>>, %arg6: memref<4x16x1024xf32, #tpu.memory_space<vmem>>, %arg7: memref<4x!tpu.dma_semaphore, #tpu.memory_space<semaphore_mem>>, %arg8: memref<4x!tpu.dma_semaphore, #tpu.memory_space<semaphore_mem>>) attributes {dimension_semantics = [#tpu.dimension_semantics<core_parallel>, #tpu.dimension_semantics<subcore_parallel>], iteration_bounds = array<i64: 2, 16>, scalar_prefetch = 0 : i64, scratch_operands = 4 : i64, tpu.core_type = #tpu.core_type<sc_vector_subcore>, window_params = [{transform_indices = #map}, {transform_indices = #map}, {transform_indices = #map1}]} {
    %mul3A = arith.constant 2 : i32
    %mul3A_0 = arith.muli %arg1, %mul3A : i32
    %add3A = arith.addi %mul3A_0, %arg0 : i32
    %jit3A = arith.constant 8 : i32
    %div3A = arith.divsi %add3A, %jit3A : i32
    %sign3A = arith.constant 0 : i32
    %sign3A_1 = arith.cmpi sgt, %add3A, %sign3A : i32
    %sign3A_2 = arith.extui %sign3A_1 : i1 to i32
    %sign3A_3 = arith.constant 0 : i32
    %sign3A_4 = arith.cmpi slt, %add3A, %sign3A_3 : i32
    %sign3A_5 = arith.extui %sign3A_4 : i1 to i32
    %sign3A_6 = arith.subi %sign3A_2, %sign3A_5 : i32
    %sign3A_7 = arith.constant 0 : i32
    %sign3A_8 = arith.cmpi sgt, %jit3A, %sign3A_7 : i32
    %sign3A_9 = arith.extui %sign3A_8 : i1 to i32
    %sign3A_10 = arith.constant 0 : i32
    %sign3A_11 = arith.cmpi slt, %jit3A, %sign3A_10 : i32
    %sign3A_12 = arith.extui %sign3A_11 : i1 to i32
    %sign3A_13 = arith.subi %sign3A_9, %sign3A_12 : i32
    %ne3A = arith.cmpi ne, %sign3A_6, %sign3A_13 : i32
    %rem3A = arith.remsi %add3A, %jit3A : i32
    %ne3A_14 = arith.constant 0 : i32
    %ne3A_15 = arith.cmpi ne, %rem3A, %ne3A_14 : i32
    %and3A = arith.andi %ne3A, %ne3A_15 : i1
    %sub3A = arith.constant 1 : i32
    %sub3A_16 = arith.subi %div3A, %sub3A : i32
    %select_n3A = arith.select %and3A, %sub3A_16, %div3A : i32
    %jit3A_17 = arith.constant 8 : i32
    %eq3A = arith.constant 0 : i32
    %eq3A_18 = arith.cmpi eq, %jit3A_17, %eq3A : i32
    %jit3A_19 = arith.constant 1 : i32
    %select_n3A_20 = arith.select %eq3A_18, %jit3A_19, %jit3A_17 : i32
    %rem3A_21 = arith.remsi %add3A, %select_n3A_20 : i32
    %ne3A_22 = arith.constant 0 : i32
    %ne3A_23 = arith.cmpi ne, %rem3A_21, %ne3A_22 : i32
    %lt3A = arith.constant 0 : i32
    %lt3A_24 = arith.cmpi slt, %rem3A_21, %lt3A : i32
    %lt3A_25 = arith.constant 0 : i32
    %lt3A_26 = arith.cmpi slt, %select_n3A_20, %lt3A_25 : i32
    %ne3A_27 = arith.xori %lt3A_24, %lt3A_26 : i1
    %and3A_28 = arith.andi %ne3A_27, %ne3A_23 : i1
    %add3A_29 = arith.addi %rem3A_21, %select_n3A_20 : i32
    %select_n3A_30 = arith.select %and3A_28, %add3A_29, %rem3A_21 : i32
    %mul3A_31 = arith.constant 512 : i32
    %mul3A_32 = arith.muli %select_n3A_30, %mul3A_31 : i32
    "tpu.region"() ({
      %run_scoped3A = tpu.sem_alloc : memref<!tpu.dma_semaphore, #tpu.memory_space<semaphore_mem>>
      %dma_start3A_300 = tpu.memref_slice %arg2[%select_n3A, %mul3A_32] : memref<4x4096xi32, #tpu.memory_space<hbm>> -> memref<1x512xi32, #tpu.memory_space<hbm>>
      %dma_start3A_301 = tpu.memref_squeeze %dma_start3A_300 : memref<1x512xi32, #tpu.memory_space<hbm>> -> memref<512xi32, #tpu.memory_space<hbm>>
      %dma_start3A_302 = tpu.memref_slice %arg2[%select_n3A, %mul3A_32] : memref<4x4096xi32, #tpu.memory_space<hbm>> -> memref<1x512xi32, #tpu.memory_space<hbm>>
      %dma_start3A_303 = tpu.memref_squeeze %dma_start3A_302 : memref<1x512xi32, #tpu.memory_space<hbm>> -> memref<512xi32, #tpu.memory_space<hbm>>
      tpu.enqueue_dma source(%dma_start3A_303 : memref<512xi32, #tpu.memory_space<hbm>>) target(%arg5 : memref<512xi32, #tpu.memory_space<vmem>>) target_semaphore(%run_scoped3A : memref<!tpu.dma_semaphore, #tpu.memory_space<semaphore_mem>>)
      %dma_wait3A_304 = tpu.memref_slice %arg2[%select_n3A, %mul3A_32] : memref<4x4096xi32, #tpu.memory_space<hbm>> -> memref<1x512xi32, #tpu.memory_space<hbm>>
      %dma_wait3A_305 = tpu.memref_squeeze %dma_wait3A_304 : memref<1x512xi32, #tpu.memory_space<hbm>> -> memref<512xi32, #tpu.memory_space<hbm>>
      %dma_wait3A_306 = tpu.memref_slice %arg2[%select_n3A, %mul3A_32] : memref<4x4096xi32, #tpu.memory_space<hbm>> -> memref<1x512xi32, #tpu.memory_space<hbm>>
      %dma_wait3A_307 = tpu.memref_squeeze %dma_wait3A_306 : memref<1x512xi32, #tpu.memory_space<hbm>> -> memref<512xi32, #tpu.memory_space<hbm>>
      tpu.wait_dma2 semaphore(%run_scoped3A : memref<!tpu.dma_semaphore, #tpu.memory_space<semaphore_mem>>) src(%dma_wait3A_307 : memref<512xi32, #tpu.memory_space<hbm>>) dst(%arg5 : memref<512xi32, #tpu.memory_space<vmem>>)
      tpu.yield
    }) : () -> ()
    %get3A = arith.constant 0 : index
    %get3A_33 = tpu.vector_load %arg5[%get3A] {strides = array<i32>} : memref<512xi32, #tpu.memory_space<vmem>>, vector<16xi32>,
    %get3A_34 = vector.shape_cast %get3A_33 : vector<16xi32> to vector<16xi32>
    %dma_start3A = arith.constant 0 : i32
    %dma_start3A_35 = arith.constant 0 : i32
    %dma_start3A_36 = arith.constant 0 : i32
    %dma_start3A_37 = arith.constant 0 : i32
    %dma_start3A_38 = tpu.memref_slice %arg6[%dma_start3A, %dma_start3A_36, %dma_start3A_37] : memref<4x16x1024xf32, #tpu.memory_space<vmem>> -> memref<1x16x1024xf32, #tpu.memory_space<vmem>>
    %dma_start3A_39 = tpu.memref_squeeze %dma_start3A_38 : memref<1x16x1024xf32, #tpu.memory_space<vmem>> -> memref<16x1024xf32, #tpu.memory_space<vmem>>
    %dma_start3A_40 = arith.constant 0 : i32
    %dma_start3A_41 = arith.constant 0 : i32
    %dma_start3A_42 = tpu.memref_slice %arg3[%dma_start3A_40, %dma_start3A_41] : memref<100000x1024xf32, #tpu.memory_space<hbm>> -> memref<100000x1024xf32, #tpu.memory_space<hbm>>
    %dma_start3A_43 = tpu.memref_slice %arg7[%dma_start3A_35] : memref<4x!tpu.dma_semaphore, #tpu.memory_space<semaphore_mem>> -> memref<1x!tpu.dma_semaphore, #tpu.memory_space<semaphore_mem>>
    %dma_start3A_44 = tpu.memref_squeeze %dma_start3A_43 : memref<1x!tpu.dma_semaphore, #tpu.memory_space<semaphore_mem>> -> memref<!tpu.dma_semaphore, #tpu.memory_space<semaphore_mem>>
    tpu.enqueue_indirect_dma source(%dma_start3A_42 : memref<100000x1024xf32, #tpu.memory_space<hbm>>) target(%dma_start3A_39 : memref<16x1024xf32, #tpu.memory_space<vmem>>) offsets(%get3A_34 : vector<16xi32>) semaphore(%dma_start3A_44 : memref<!tpu.dma_semaphore, #tpu.memory_space<semaphore_mem>>)
    %get3A_45 = arith.constant 16 : index
    %get3A_46 = tpu.vector_load %arg5[%get3A_45] {strides = array<i32>} : memref<512xi32, #tpu.memory_space<vmem>>, vector<16xi32>,
    %get3A_47 = vector.shape_cast %get3A_46 : vector<16xi32> to vector<16xi32>
    %dma_start3A_48 = arith.constant 1 : i32
    %dma_start3A_49 = arith.constant 1 : i32
    %dma_start3A_50 = arith.constant 0 : i32
    %dma_start3A_51 = arith.constant 0 : i32
    %dma_start3A_52 = tpu.memref_slice %arg6[%dma_start3A_48, %dma_start3A_50, %dma_start3A_51] : memref<4x16x1024xf32, #tpu.memory_space<vmem>> -> memref<1x16x1024xf32, #tpu.memory_space<vmem>>
    %dma_start3A_53 = tpu.memref_squeeze %dma_start3A_52 : memref<1x16x1024xf32, #tpu.memory_space<vmem>> -> memref<16x1024xf32, #tpu.memory_space<vmem>>
    %dma_start3A_54 = arith.constant 0 : i32
    %dma_start3A_55 = arith.constant 0 : i32
    %dma_start3A_56 = tpu.memref_slice %arg3[%dma_start3A_54, %dma_start3A_55] : memref<100000x1024xf32, #tpu.memory_space<hbm>> -> memref<100000x1024xf32, #tpu.memory_space<hbm>>
    %dma_start3A_57 = tpu.memref_slice %arg7[%dma_start3A_49] : memref<4x!tpu.dma_semaphore, #tpu.memory_space<semaphore_mem>> -> memref<1x!tpu.dma_semaphore, #tpu.memory_space<semaphore_mem>>
    %dma_start3A_58 = tpu.memref_squeeze %dma_start3A_57 : memref<1x!tpu.dma_semaphore, #tpu.memory_space<semaphore_mem>> -> memref<!tpu.dma_semaphore, #tpu.memory_space<semaphore_mem>>
    tpu.enqueue_indirect_dma source(%dma_start3A_56 : memref<100000x1024xf32, #tpu.memory_space<hbm>>) target(%dma_start3A_53 : memref<16x1024xf32, #tpu.memory_space<vmem>>) offsets(%get3A_47 : vector<16xi32>) semaphore(%dma_start3A_58 : memref<!tpu.dma_semaphore, #tpu.memory_space<semaphore_mem>>)
    %get3A_59 = arith.constant 32 : index
    %get3A_60 = tpu.vector_load %arg5[%get3A_59] {strides = array<i32>} : memref<512xi32, #tpu.memory_space<vmem>>, vector<16xi32>,
    %get3A_61 = vector.shape_cast %get3A_60 : vector<16xi32> to vector<16xi32>
    %dma_start3A_62 = arith.constant 2 : i32
    %dma_start3A_63 = arith.constant 2 : i32
    %dma_start3A_64 = arith.constant 0 : i32
    %dma_start3A_65 = arith.constant 0 : i32
    %dma_start3A_66 = tpu.memref_slice %arg6[%dma_start3A_62, %dma_start3A_64, %dma_start3A_65] : memref<4x16x1024xf32, #tpu.memory_space<vmem>> -> memref<1x16x1024xf32, #tpu.memory_space<vmem>>
    %dma_start3A_67 = tpu.memref_squeeze %dma_start3A_66 : memref<1x16x1024xf32, #tpu.memory_space<vmem>> -> memref<16x1024xf32, #tpu.memory_space<vmem>>
    %dma_start3A_68 = arith.constant 0 : i32
    %dma_start3A_69 = arith.constant 0 : i32
    %dma_start3A_70 = tpu.memref_slice %arg3[%dma_start3A_68, %dma_start3A_69] : memref<100000x1024xf32, #tpu.memory_space<hbm>> -> memref<100000x1024xf32, #tpu.memory_space<hbm>>
    %dma_start3A_71 = tpu.memref_slice %arg7[%dma_start3A_63] : memref<4x!tpu.dma_semaphore, #tpu.memory_space<semaphore_mem>> -> memref<1x!tpu.dma_semaphore, #tpu.memory_space<semaphore_mem>>
    %dma_start3A_72 = tpu.memref_squeeze %dma_start3A_71 : memref<1x!tpu.dma_semaphore, #tpu.memory_space<semaphore_mem>> -> memref<!tpu.dma_semaphore, #tpu.memory_space<semaphore_mem>>
    tpu.enqueue_indirect_dma source(%dma_start3A_70 : memref<100000x1024xf32, #tpu.memory_space<hbm>>) target(%dma_start3A_67 : memref<16x1024xf32, #tpu.memory_space<vmem>>) offsets(%get3A_61 : vector<16xi32>) semaphore(%dma_start3A_72 : memref<!tpu.dma_semaphore, #tpu.memory_space<semaphore_mem>>)
    %get3A_73 = arith.constant 48 : index
    %get3A_74 = tpu.vector_load %arg5[%get3A_73] {strides = array<i32>} : memref<512xi32, #tpu.memory_space<vmem>>, vector<16xi32>,
    %get3A_75 = vector.shape_cast %get3A_74 : vector<16xi32> to vector<16xi32>
    %dma_start3A_76 = arith.constant 3 : i32
    %dma_start3A_77 = arith.constant 3 : i32
    %dma_start3A_78 = arith.constant 0 : i32
    %dma_start3A_79 = arith.constant 0 : i32
    %dma_start3A_80 = tpu.memref_slice %arg6[%dma_start3A_76, %dma_start3A_78, %dma_start3A_79] : memref<4x16x1024xf32, #tpu.memory_space<vmem>> -> memref<1x16x1024xf32, #tpu.memory_space<vmem>>
    %dma_start3A_81 = tpu.memref_squeeze %dma_start3A_80 : memref<1x16x1024xf32, #tpu.memory_space<vmem>> -> memref<16x1024xf32, #tpu.memory_space<vmem>>
    %dma_start3A_82 = arith.constant 0 : i32
    %dma_start3A_83 = arith.constant 0 : i32
    %dma_start3A_84 = tpu.memref_slice %arg3[%dma_start3A_82, %dma_start3A_83] : memref<100000x1024xf32, #tpu.memory_space<hbm>> -> memref<100000x1024xf32, #tpu.memory_space<hbm>>
    %dma_start3A_85 = tpu.memref_slice %arg7[%dma_start3A_77] : memref<4x!tpu.dma_semaphore, #tpu.memory_space<semaphore_mem>> -> memref<1x!tpu.dma_semaphore, #tpu.memory_space<semaphore_mem>>
    %dma_start3A_86 = tpu.memref_squeeze %dma_start3A_85 : memref<1x!tpu.dma_semaphore, #tpu.memory_space<semaphore_mem>> -> memref<!tpu.dma_semaphore, #tpu.memory_space<semaphore_mem>>
    tpu.enqueue_indirect_dma source(%dma_start3A_84 : memref<100000x1024xf32, #tpu.memory_space<hbm>>) target(%dma_start3A_81 : memref<16x1024xf32, #tpu.memory_space<vmem>>) offsets(%get3A_75 : vector<16xi32>) semaphore(%dma_start3A_86 : memref<!tpu.dma_semaphore, #tpu.memory_space<semaphore_mem>>)
    %scan3A = arith.constant 0 : i32
    %scan3A_87 = arith.constant 0 : i32
    %scan3A_88 = arith.constant 7 : i32
    %scan3A_89 = arith.addi %scan3A_87, %scan3A_88 : i32
    %scan3A_90 = arith.constant 1 : i32
    %scan3A_91 = scf.for %scan3A_300 = %scan3A_87 to %scan3A_89 step %scan3A_90 iter_args(%scan3A_301 = %scan3A) -> (i32)  : i32 {
      %mul3A_302 = arith.constant 4 : i32
      %mul3A_303 = arith.muli %scan3A_300, %mul3A_302 : i32
      %add3A_304 = arith.constant 0 : i32
      %add3A_305 = arith.addi %mul3A_303, %add3A_304 : i32
      %mul3A_306 = arith.constant 16 : i32
      %mul3A_307 = arith.muli %add3A_305, %mul3A_306 : i32
      %get3A_308 = arith.index_cast %mul3A_307 : i32 to index
      %get3A_309 = tpu.vector_load %arg5[%get3A_308] {strides = array<i32>} : memref<512xi32, #tpu.memory_space<vmem>>, vector<16xi32>,
      %get3A_310 = vector.shape_cast %get3A_309 : vector<16xi32> to vector<16xi32>
      %dma_wait3A_311 = arith.constant 0 : i32
      %dma_wait3A_312 = arith.constant 0 : i32
      %dma_wait3A_313 = arith.constant 0 : i32
      %dma_wait3A_314 = arith.constant 0 : i32
      %dma_wait3A_315 = tpu.memref_slice %arg6[%dma_wait3A_311, %dma_wait3A_313, %dma_wait3A_314] : memref<4x16x1024xf32, #tpu.memory_space<vmem>> -> memref<1x16x1024xf32, #tpu.memory_space<vmem>>
      %dma_wait3A_316 = tpu.memref_squeeze %dma_wait3A_315 : memref<1x16x1024xf32, #tpu.memory_space<vmem>> -> memref<16x1024xf32, #tpu.memory_space<vmem>>
      %dma_wait3A_317 = arith.constant 0 : i32
      %dma_wait3A_318 = arith.constant 0 : i32
      %dma_wait3A_319 = tpu.memref_slice %arg3[%dma_wait3A_317, %dma_wait3A_318] : memref<100000x1024xf32, #tpu.memory_space<hbm>> -> memref<100000x1024xf32, #tpu.memory_space<hbm>>
      %dma_wait3A_320 = tpu.memref_slice %arg7[%dma_wait3A_312] : memref<4x!tpu.dma_semaphore, #tpu.memory_space<semaphore_mem>> -> memref<1x!tpu.dma_semaphore, #tpu.memory_space<semaphore_mem>>
      %dma_wait3A_321 = tpu.memref_squeeze %dma_wait3A_320 : memref<1x!tpu.dma_semaphore, #tpu.memory_space<semaphore_mem>> -> memref<!tpu.dma_semaphore, #tpu.memory_space<semaphore_mem>>
      tpu.wait_indirect_dma semaphore(%dma_wait3A_321 : memref<!tpu.dma_semaphore, #tpu.memory_space<semaphore_mem>>) src(%dma_wait3A_319 : memref<100000x1024xf32, #tpu.memory_space<hbm>>) dst(%dma_wait3A_316 : memref<16x1024xf32, #tpu.memory_space<vmem>>)
      %mul3A_322 = arith.constant 16 : i32
      %mul3A_323 = arith.muli %add3A_305, %mul3A_322 : i32
      %add3A_324 = arith.addi %mul3A_32, %mul3A_323 : i32
      %dma_start3A_325 = arith.constant 0 : i32
      %dma_start3A_326 = arith.constant 0 : i32
      %dma_start3A_327 = arith.constant 0 : i32
      %dma_start3A_328 = arith.constant 0 : i32
      %dma_start3A_329 = tpu.memref_slice %arg6[%dma_start3A_325, %dma_start3A_327, %dma_start3A_328] : memref<4x16x1024xf32, #tpu.memory_space<vmem>> -> memref<1x16x1024xf32, #tpu.memory_space<vmem>>
      %dma_start3A_330 = tpu.memref_squeeze %dma_start3A_329 : memref<1x16x1024xf32, #tpu.memory_space<vmem>> -> memref<16x1024xf32, #tpu.memory_space<vmem>>
      %dma_start3A_331 = arith.constant 0 : i32
      %dma_start3A_332 = tpu.memref_slice %arg4[%select_n3A, %add3A_324, %dma_start3A_331] : memref<4x4096x1024xf32, #tpu.memory_space<hbm>> -> memref<1x16x1024xf32, #tpu.memory_space<hbm>>
      %dma_start3A_333 = tpu.memref_squeeze %dma_start3A_332 : memref<1x16x1024xf32, #tpu.memory_space<hbm>> -> memref<16x1024xf32, #tpu.memory_space<hbm>>
      %dma_start3A_334 = tpu.memref_slice %arg8[%dma_start3A_326] : memref<4x!tpu.dma_semaphore, #tpu.memory_space<semaphore_mem>> -> memref<1x!tpu.dma_semaphore, #tpu.memory_space<semaphore_mem>>
      %dma_start3A_335 = tpu.memref_squeeze %dma_start3A_334 : memref<1x!tpu.dma_semaphore, #tpu.memory_space<semaphore_mem>> -> memref<!tpu.dma_semaphore, #tpu.memory_space<semaphore_mem>>
      %dma_start3A_336 = arith.constant 0 : i32
      %dma_start3A_337 = tpu.memref_slice %arg4[%select_n3A, %add3A_324, %dma_start3A_336] : memref<4x4096x1024xf32, #tpu.memory_space<hbm>> -> memref<1x16x1024xf32, #tpu.memory_space<hbm>>
      %dma_start3A_338 = tpu.memref_squeeze %dma_start3A_337 : memref<1x16x1024xf32, #tpu.memory_space<hbm>> -> memref<16x1024xf32, #tpu.memory_space<hbm>>
      %dma_start3A_339 = arith.constant 0 : i32
      %dma_start3A_340 = arith.constant 0 : i32
      %dma_start3A_341 = tpu.memref_slice %arg6[%dma_start3A_325, %dma_start3A_339, %dma_start3A_340] : memref<4x16x1024xf32, #tpu.memory_space<vmem>> -> memref<1x16x1024xf32, #tpu.memory_space<vmem>>
      %dma_start3A_342 = tpu.memref_squeeze %dma_start3A_341 : memref<1x16x1024xf32, #tpu.memory_space<vmem>> -> memref<16x1024xf32, #tpu.memory_space<vmem>>
      tpu.enqueue_dma source(%dma_start3A_342 : memref<16x1024xf32, #tpu.memory_space<vmem>>) target(%dma_start3A_338 : memref<16x1024xf32, #tpu.memory_space<hbm>>) target_semaphore(%dma_start3A_335 : memref<!tpu.dma_semaphore, #tpu.memory_space<semaphore_mem>>)
      %dma_wait3A_343 = arith.constant 0 : i32
      %dma_wait3A_344 = arith.constant 0 : i32
      %dma_wait3A_345 = arith.constant 0 : i32
      %dma_wait3A_346 = arith.constant 0 : i32
      %dma_wait3A_347 = tpu.memref_slice %arg6[%dma_wait3A_343, %dma_wait3A_345, %dma_wait3A_346] : memref<4x16x1024xf32, #tpu.memory_space<vmem>> -> memref<1x16x1024xf32, #tpu.memory_space<vmem>>
      %dma_wait3A_348 = tpu.memref_squeeze %dma_wait3A_347 : memref<1x16x1024xf32, #tpu.memory_space<vmem>> -> memref<16x1024xf32, #tpu.memory_space<vmem>>
      %dma_wait3A_349 = arith.constant 0 : i32
      %dma_wait3A_350 = tpu.memref_slice %arg4[%select_n3A, %add3A_324, %dma_wait3A_349] : memref<4x4096x1024xf32, #tpu.memory_space<hbm>> -> memref<1x16x1024xf32, #tpu.memory_space<hbm>>
      %dma_wait3A_351 = tpu.memref_squeeze %dma_wait3A_350 : memref<1x16x1024xf32, #tpu.memory_space<hbm>> -> memref<16x1024xf32, #tpu.memory_space<hbm>>
      %dma_wait3A_352 = tpu.memref_slice %arg8[%dma_wait3A_344] : memref<4x!tpu.dma_semaphore, #tpu.memory_space<semaphore_mem>> -> memref<1x!tpu.dma_semaphore, #tpu.memory_space<semaphore_mem>>
      %dma_wait3A_353 = tpu.memref_squeeze %dma_wait3A_352 : memref<1x!tpu.dma_semaphore, #tpu.memory_space<semaphore_mem>> -> memref<!tpu.dma_semaphore, #tpu.memory_space<semaphore_mem>>
      %dma_wait3A_354 = arith.constant 0 : i32
      %dma_wait3A_355 = tpu.memref_slice %arg4[%select_n3A, %add3A_324, %dma_wait3A_354] : memref<4x4096x1024xf32, #tpu.memory_space<hbm>> -> memref<1x16x1024xf32, #tpu.memory_space<hbm>>
      %dma_wait3A_356 = tpu.memref_squeeze %dma_wait3A_355 : memref<1x16x1024xf32, #tpu.memory_space<hbm>> -> memref<16x1024xf32, #tpu.memory_space<hbm>>
      %dma_wait3A_357 = arith.constant 0 : i32
      %dma_wait3A_358 = arith.constant 0 : i32
      %dma_wait3A_359 = tpu.memref_slice %arg6[%dma_wait3A_343, %dma_wait3A_357, %dma_wait3A_358] : memref<4x16x1024xf32, #tpu.memory_space<vmem>> -> memref<1x16x1024xf32, #tpu.memory_space<vmem>>
      %dma_wait3A_360 = tpu.memref_squeeze %dma_wait3A_359 : memref<1x16x1024xf32, #tpu.memory_space<vmem>> -> memref<16x1024xf32, #tpu.memory_space<vmem>>
      tpu.wait_dma2 semaphore(%dma_wait3A_353 : memref<!tpu.dma_semaphore, #tpu.memory_space<semaphore_mem>>) src(%dma_wait3A_360 : memref<16x1024xf32, #tpu.memory_space<vmem>>) dst(%dma_wait3A_356 : memref<16x1024xf32, #tpu.memory_space<hbm>>)
      %add3A_361 = arith.constant 4 : i32
      %add3A_362 = arith.addi %add3A_305, %add3A_361 : i32
      %mul3A_363 = arith.constant 16 : i32
      %mul3A_364 = arith.muli %add3A_362, %mul3A_363 : i32
      %get3A_365 = arith.index_cast %mul3A_364 : i32 to index
      %get3A_366 = tpu.vector_load %arg5[%get3A_365] {strides = array<i32>} : memref<512xi32, #tpu.memory_space<vmem>>, vector<16xi32>,
      %get3A_367 = vector.shape_cast %get3A_366 : vector<16xi32> to vector<16xi32>
      %dma_start3A_368 = arith.constant 0 : i32
      %dma_start3A_369 = arith.constant 0 : i32
      %dma_start3A_370 = arith.constant 0 : i32
      %dma_start3A_371 = arith.constant 0 : i32
      %dma_start3A_372 = tpu.memref_slice %arg6[%dma_start3A_368, %dma_start3A_370, %dma_start3A_371] : memref<4x16x1024xf32, #tpu.memory_space<vmem>> -> memref<1x16x1024xf32, #tpu.memory_space<vmem>>
      %dma_start3A_373 = tpu.memref_squeeze %dma_start3A_372 : memref<1x16x1024xf32, #tpu.memory_space<vmem>> -> memref<16x1024xf32, #tpu.memory_space<vmem>>
      %dma_start3A_374 = arith.constant 0 : i32
      %dma_start3A_375 = arith.constant 0 : i32
      %dma_start3A_376 = tpu.memref_slice %arg3[%dma_start3A_374, %dma_start3A_375] : memref<100000x1024xf32, #tpu.memory_space<hbm>> -> memref<100000x1024xf32, #tpu.memory_space<hbm>>
      %dma_start3A_377 = tpu.memref_slice %arg7[%dma_start3A_369] : memref<4x!tpu.dma_semaphore, #tpu.memory_space<semaphore_mem>> -> memref<1x!tpu.dma_semaphore, #tpu.memory_space<semaphore_mem>>
      %dma_start3A_378 = tpu.memref_squeeze %dma_start3A_377 : memref<1x!tpu.dma_semaphore, #tpu.memory_space<semaphore_mem>> -> memref<!tpu.dma_semaphore, #tpu.memory_space<semaphore_mem>>
      tpu.enqueue_indirect_dma source(%dma_start3A_376 : memref<100000x1024xf32, #tpu.memory_space<hbm>>) target(%dma_start3A_373 : memref<16x1024xf32, #tpu.memory_space<vmem>>) offsets(%get3A_367 : vector<16xi32>) semaphore(%dma_start3A_378 : memref<!tpu.dma_semaphore, #tpu.memory_space<semaphore_mem>>)
      %mul3A_379 = arith.constant 4 : i32
      %mul3A_380 = arith.muli %scan3A_300, %mul3A_379 : i32
      %add3A_381 = arith.constant 1 : i32
      %add3A_382 = arith.addi %mul3A_380, %add3A_381 : i32
      %mul3A_383 = arith.constant 16 : i32
      %mul3A_384 = arith.muli %add3A_382, %mul3A_383 : i32
      %get3A_385 = arith.index_cast %mul3A_384 : i32 to index
      %get3A_386 = tpu.vector_load %arg5[%get3A_385] {strides = array<i32>} : memref<512xi32, #tpu.memory_space<vmem>>, vector<16xi32>,
      %get3A_387 = vector.shape_cast %get3A_386 : vector<16xi32> to vector<16xi32>
      %dma_wait3A_388 = arith.constant 1 : i32
      %dma_wait3A_389 = arith.constant 1 : i32
      %dma_wait3A_390 = arith.constant 0 : i32
      %dma_wait3A_391 = arith.constant 0 : i32
      %dma_wait3A_392 = tpu.memref_slice %arg6[%dma_wait3A_388, %dma_wait3A_390, %dma_wait3A_391] : memref<4x16x1024xf32, #tpu.memory_space<vmem>> -> memref<1x16x1024xf32, #tpu.memory_space<vmem>>
      %dma_wait3A_393 = tpu.memref_squeeze %dma_wait3A_392 : memref<1x16x1024xf32, #tpu.memory_space<vmem>> -> memref<16x1024xf32, #tpu.memory_space<vmem>>
      %dma_wait3A_394 = arith.constant 0 : i32
      %dma_wait3A_395 = arith.constant 0 : i32
      %dma_wait3A_396 = tpu.memref_slice %arg3[%dma_wait3A_394, %dma_wait3A_395] : memref<100000x1024xf32, #tpu.memory_space<hbm>> -> memref<100000x1024xf32, #tpu.memory_space<hbm>>
      %dma_wait3A_397 = tpu.memref_slice %arg7[%dma_wait3A_389] : memref<4x!tpu.dma_semaphore, #tpu.memory_space<semaphore_mem>> -> memref<1x!tpu.dma_semaphore, #tpu.memory_space<semaphore_mem>>
      %dma_wait3A_398 = tpu.memref_squeeze %dma_wait3A_397 : memref<1x!tpu.dma_semaphore, #tpu.memory_space<semaphore_mem>> -> memref<!tpu.dma_semaphore, #tpu.memory_space<semaphore_mem>>
      tpu.wait_indirect_dma semaphore(%dma_wait3A_398 : memref<!tpu.dma_semaphore, #tpu.memory_space<semaphore_mem>>) src(%dma_wait3A_396 : memref<100000x1024xf32, #tpu.memory_space<hbm>>) dst(%dma_wait3A_393 : memref<16x1024xf32, #tpu.memory_space<vmem>>)
      %mul3A_399 = arith.constant 16 : i32
      %mul3A_400 = arith.muli %add3A_382, %mul3A_399 : i32
      %add3A_401 = arith.addi %mul3A_32, %mul3A_400 : i32
      %dma_start3A_402 = arith.constant 1 : i32
      %dma_start3A_403 = arith.constant 1 : i32
      %dma_start3A_404 = arith.constant 0 : i32
      %dma_start3A_405 = arith.constant 0 : i32
      %dma_start3A_406 = tpu.memref_slice %arg6[%dma_start3A_402, %dma_start3A_404, %dma_start3A_405] : memref<4x16x1024xf32, #tpu.memory_space<vmem>> -> memref<1x16x1024xf32, #tpu.memory_space<vmem>>
      %dma_start3A_407 = tpu.memref_squeeze %dma_start3A_406 : memref<1x16x1024xf32, #tpu.memory_space<vmem>> -> memref<16x1024xf32, #tpu.memory_space<vmem>>
      %dma_start3A_408 = arith.constant 0 : i32
      %dma_start3A_409 = tpu.memref_slice %arg4[%select_n3A, %add3A_401, %dma_start3A_408] : memref<4x4096x1024xf32, #tpu.memory_space<hbm>> -> memref<1x16x1024xf32, #tpu.memory_space<hbm>>
      %dma_start3A_410 = tpu.memref_squeeze %dma_start3A_409 : memref<1x16x1024xf32, #tpu.memory_space<hbm>> -> memref<16x1024xf32, #tpu.memory_space<hbm>>
      %dma_start3A_411 = tpu.memref_slice %arg8[%dma_start3A_403] : memref<4x!tpu.dma_semaphore, #tpu.memory_space<semaphore_mem>> -> memref<1x!tpu.dma_semaphore, #tpu.memory_space<semaphore_mem>>
      %dma_start3A_412 = tpu.memref_squeeze %dma_start3A_411 : memref<1x!tpu.dma_semaphore, #tpu.memory_space<semaphore_mem>> -> memref<!tpu.dma_semaphore, #tpu.memory_space<semaphore_mem>>
      %dma_start3A_413 = arith.constant 0 : i32
      %dma_start3A_414 = tpu.memref_slice %arg4[%select_n3A, %add3A_401, %dma_start3A_413] : memref<4x4096x1024xf32, #tpu.memory_space<hbm>> -> memref<1x16x1024xf32, #tpu.memory_space<hbm>>
      %dma_start3A_415 = tpu.memref_squeeze %dma_start3A_414 : memref<1x16x1024xf32, #tpu.memory_space<hbm>> -> memref<16x1024xf32, #tpu.memory_space<hbm>>
      %dma_start3A_416 = arith.constant 0 : i32
      %dma_start3A_417 = arith.constant 0 : i32
      %dma_start3A_418 = tpu.memref_slice %arg6[%dma_start3A_402, %dma_start3A_416, %dma_start3A_417] : memref<4x16x1024xf32, #tpu.memory_space<vmem>> -> memref<1x16x1024xf32, #tpu.memory_space<vmem>>
      %dma_start3A_419 = tpu.memref_squeeze %dma_start3A_418 : memref<1x16x1024xf32, #tpu.memory_space<vmem>> -> memref<16x1024xf32, #tpu.memory_space<vmem>>
      tpu.enqueue_dma source(%dma_start3A_419 : memref<16x1024xf32, #tpu.memory_space<vmem>>) target(%dma_start3A_415 : memref<16x1024xf32, #tpu.memory_space<hbm>>) target_semaphore(%dma_start3A_412 : memref<!tpu.dma_semaphore, #tpu.memory_space<semaphore_mem>>)
      %dma_wait3A_420 = arith.constant 1 : i32
      %dma_wait3A_421 = arith.constant 1 : i32
      %dma_wait3A_422 = arith.constant 0 : i32
      %dma_wait3A_423 = arith.constant 0 : i32
      %dma_wait3A_424 = tpu.memref_slice %arg6[%dma_wait3A_420, %dma_wait3A_422, %dma_wait3A_423] : memref<4x16x1024xf32, #tpu.memory_space<vmem>> -> memref<1x16x1024xf32, #tpu.memory_space<vmem>>
      %dma_wait3A_425 = tpu.memref_squeeze %dma_wait3A_424 : memref<1x16x1024xf32, #tpu.memory_space<vmem>> -> memref<16x1024xf32, #tpu.memory_space<vmem>>
      %dma_wait3A_426 = arith.constant 0 : i32
      %dma_wait3A_427 = tpu.memref_slice %arg4[%select_n3A, %add3A_401, %dma_wait3A_426] : memref<4x4096x1024xf32, #tpu.memory_space<hbm>> -> memref<1x16x1024xf32, #tpu.memory_space<hbm>>
      %dma_wait3A_428 = tpu.memref_squeeze %dma_wait3A_427 : memref<1x16x1024xf32, #tpu.memory_space<hbm>> -> memref<16x1024xf32, #tpu.memory_space<hbm>>
      %dma_wait3A_429 = tpu.memref_slice %arg8[%dma_wait3A_421] : memref<4x!tpu.dma_semaphore, #tpu.memory_space<semaphore_mem>> -> memref<1x!tpu.dma_semaphore, #tpu.memory_space<semaphore_mem>>
      %dma_wait3A_430 = tpu.memref_squeeze %dma_wait3A_429 : memref<1x!tpu.dma_semaphore, #tpu.memory_space<semaphore_mem>> -> memref<!tpu.dma_semaphore, #tpu.memory_space<semaphore_mem>>
      %dma_wait3A_431 = arith.constant 0 : i32
      %dma_wait3A_432 = tpu.memref_slice %arg4[%select_n3A, %add3A_401, %dma_wait3A_431] : memref<4x4096x1024xf32, #tpu.memory_space<hbm>> -> memref<1x16x1024xf32, #tpu.memory_space<hbm>>
      %dma_wait3A_433 = tpu.memref_squeeze %dma_wait3A_432 : memref<1x16x1024xf32, #tpu.memory_space<hbm>> -> memref<16x1024xf32, #tpu.memory_space<hbm>>
      %dma_wait3A_434 = arith.constant 0 : i32
      %dma_wait3A_435 = arith.constant 0 : i32
      %dma_wait3A_436 = tpu.memref_slice %arg6[%dma_wait3A_420, %dma_wait3A_434, %dma_wait3A_435] : memref<4x16x1024xf32, #tpu.memory_space<vmem>> -> memref<1x16x1024xf32, #tpu.memory_space<vmem>>
      %dma_wait3A_437 = tpu.memref_squeeze %dma_wait3A_436 : memref<1x16x1024xf32, #tpu.memory_space<vmem>> -> memref<16x1024xf32, #tpu.memory_space<vmem>>
      tpu.wait_dma2 semaphore(%dma_wait3A_430 : memref<!tpu.dma_semaphore, #tpu.memory_space<semaphore_mem>>) src(%dma_wait3A_437 : memref<16x1024xf32, #tpu.memory_space<vmem>>) dst(%dma_wait3A_433 : memref<16x1024xf32, #tpu.memory_space<hbm>>)
      %add3A_438 = arith.constant 4 : i32
      %add3A_439 = arith.addi %add3A_382, %add3A_438 : i32
      %mul3A_440 = arith.constant 16 : i32
      %mul3A_441 = arith.muli %add3A_439, %mul3A_440 : i32
      %get3A_442 = arith.index_cast %mul3A_441 : i32 to index
      %get3A_443 = tpu.vector_load %arg5[%get3A_442] {strides = array<i32>} : memref<512xi32, #tpu.memory_space<vmem>>, vector<16xi32>,
      %get3A_444 = vector.shape_cast %get3A_443 : vector<16xi32> to vector<16xi32>
      %dma_start3A_445 = arith.constant 1 : i32
      %dma_start3A_446 = arith.constant 1 : i32
      %dma_start3A_447 = arith.constant 0 : i32
      %dma_start3A_448 = arith.constant 0 : i32
      %dma_start3A_449 = tpu.memref_slice %arg6[%dma_start3A_445, %dma_start3A_447, %dma_start3A_448] : memref<4x16x1024xf32, #tpu.memory_space<vmem>> -> memref<1x16x1024xf32, #tpu.memory_space<vmem>>
      %dma_start3A_450 = tpu.memref_squeeze %dma_start3A_449 : memref<1x16x1024xf32, #tpu.memory_space<vmem>> -> memref<16x1024xf32, #tpu.memory_space<vmem>>
      %dma_start3A_451 = arith.constant 0 : i32
      %dma_start3A_452 = arith.constant 0 : i32
      %dma_start3A_453 = tpu.memref_slice %arg3[%dma_start3A_451, %dma_start3A_452] : memref<100000x1024xf32, #tpu.memory_space<hbm>> -> memref<100000x1024xf32, #tpu.memory_space<hbm>>
      %dma_start3A_454 = tpu.memref_slice %arg7[%dma_start3A_446] : memref<4x!tpu.dma_semaphore, #tpu.memory_space<semaphore_mem>> -> memref<1x!tpu.dma_semaphore, #tpu.memory_space<semaphore_mem>>
      %dma_start3A_455 = tpu.memref_squeeze %dma_start3A_454 : memref<1x!tpu.dma_semaphore, #tpu.memory_space<semaphore_mem>> -> memref<!tpu.dma_semaphore, #tpu.memory_space<semaphore_mem>>
      tpu.enqueue_indirect_dma source(%dma_start3A_453 : memref<100000x1024xf32, #tpu.memory_space<hbm>>) target(%dma_start3A_450 : memref<16x1024xf32, #tpu.memory_space<vmem>>) offsets(%get3A_444 : vector<16xi32>) semaphore(%dma_start3A_455 : memref<!tpu.dma_semaphore, #tpu.memory_space<semaphore_mem>>)
      %mul3A_456 = arith.constant 4 : i32
      %mul3A_457 = arith.muli %scan3A_300, %mul3A_456 : i32
      %add3A_458 = arith.constant 2 : i32
      %add3A_459 = arith.addi %mul3A_457, %add3A_458 : i32
      %mul3A_460 = arith.constant 16 : i32
      %mul3A_461 = arith.muli %add3A_459, %mul3A_460 : i32
      %get3A_462 = arith.index_cast %mul3A_461 : i32 to index
      %get3A_463 = tpu.vector_load %arg5[%get3A_462] {strides = array<i32>} : memref<512xi32, #tpu.memory_space<vmem>>, vector<16xi32>,
      %get3A_464 = vector.shape_cast %get3A_463 : vector<16xi32> to vector<16xi32>
      %dma_wait3A_465 = arith.constant 2 : i32
      %dma_wait3A_466 = arith.constant 2 : i32
      %dma_wait3A_467 = arith.constant 0 : i32
      %dma_wait3A_468 = arith.constant 0 : i32
      %dma_wait3A_469 = tpu.memref_slice %arg6[%dma_wait3A_465, %dma_wait3A_467, %dma_wait3A_468] : memref<4x16x1024xf32, #tpu.memory_space<vmem>> -> memref<1x16x1024xf32, #tpu.memory_space<vmem>>
      %dma_wait3A_470 = tpu.memref_squeeze %dma_wait3A_469 : memref<1x16x1024xf32, #tpu.memory_space<vmem>> -> memref<16x1024xf32, #tpu.memory_space<vmem>>
      %dma_wait3A_471 = arith.constant 0 : i32
      %dma_wait3A_472 = arith.constant 0 : i32
      %dma_wait3A_473 = tpu.memref_slice %arg3[%dma_wait3A_471, %dma_wait3A_472] : memref<100000x1024xf32, #tpu.memory_space<hbm>> -> memref<100000x1024xf32, #tpu.memory_space<hbm>>
      %dma_wait3A_474 = tpu.memref_slice %arg7[%dma_wait3A_466] : memref<4x!tpu.dma_semaphore, #tpu.memory_space<semaphore_mem>> -> memref<1x!tpu.dma_semaphore, #tpu.memory_space<semaphore_mem>>
      %dma_wait3A_475 = tpu.memref_squeeze %dma_wait3A_474 : memref<1x!tpu.dma_semaphore, #tpu.memory_space<semaphore_mem>> -> memref<!tpu.dma_semaphore, #tpu.memory_space<semaphore_mem>>
      tpu.wait_indirect_dma semaphore(%dma_wait3A_475 : memref<!tpu.dma_semaphore, #tpu.memory_space<semaphore_mem>>) src(%dma_wait3A_473 : memref<100000x1024xf32, #tpu.memory_space<hbm>>) dst(%dma_wait3A_470 : memref<16x1024xf32, #tpu.memory_space<vmem>>)
      %mul3A_476 = arith.constant 16 : i32
      %mul3A_477 = arith.muli %add3A_459, %mul3A_476 : i32
      %add3A_478 = arith.addi %mul3A_32, %mul3A_477 : i32
      %dma_start3A_479 = arith.constant 2 : i32
      %dma_start3A_480 = arith.constant 2 : i32
      %dma_start3A_481 = arith.constant 0 : i32
      %dma_start3A_482 = arith.constant 0 : i32
      %dma_start3A_483 = tpu.memref_slice %arg6[%dma_start3A_479, %dma_start3A_481, %dma_start3A_482] : memref<4x16x1024xf32, #tpu.memory_space<vmem>> -> memref<1x16x1024xf32, #tpu.memory_space<vmem>>
      %dma_start3A_484 = tpu.memref_squeeze %dma_start3A_483 : memref<1x16x1024xf32, #tpu.memory_space<vmem>> -> memref<16x1024xf32, #tpu.memory_space<vmem>>
      %dma_start3A_485 = arith.constant 0 : i32
      %dma_start3A_486 = tpu.memref_slice %arg4[%select_n3A, %add3A_478, %dma_start3A_485] : memref<4x4096x1024xf32, #tpu.memory_space<hbm>> -> memref<1x16x1024xf32, #tpu.memory_space<hbm>>
      %dma_start3A_487 = tpu.memref_squeeze %dma_start3A_486 : memref<1x16x1024xf32, #tpu.memory_space<hbm>> -> memref<16x1024xf32, #tpu.memory_space<hbm>>
      %dma_start3A_488 = tpu.memref_slice %arg8[%dma_start3A_480] : memref<4x!tpu.dma_semaphore, #tpu.memory_space<semaphore_mem>> -> memref<1x!tpu.dma_semaphore, #tpu.memory_space<semaphore_mem>>
      %dma_start3A_489 = tpu.memref_squeeze %dma_start3A_488 : memref<1x!tpu.dma_semaphore, #tpu.memory_space<semaphore_mem>> -> memref<!tpu.dma_semaphore, #tpu.memory_space<semaphore_mem>>
      %dma_start3A_490 = arith.constant 0 : i32
      %dma_start3A_491 = tpu.memref_slice %arg4[%select_n3A, %add3A_478, %dma_start3A_490] : memref<4x4096x1024xf32, #tpu.memory_space<hbm>> -> memref<1x16x1024xf32, #tpu.memory_space<hbm>>
      %dma_start3A_492 = tpu.memref_squeeze %dma_start3A_491 : memref<1x16x1024xf32, #tpu.memory_space<hbm>> -> memref<16x1024xf32, #tpu.memory_space<hbm>>
      %dma_start3A_493 = arith.constant 0 : i32
      %dma_start3A_494 = arith.constant 0 : i32
      %dma_start3A_495 = tpu.memref_slice %arg6[%dma_start3A_479, %dma_start3A_493, %dma_start3A_494] : memref<4x16x1024xf32, #tpu.memory_space<vmem>> -> memref<1x16x1024xf32, #tpu.memory_space<vmem>>
      %dma_start3A_496 = tpu.memref_squeeze %dma_start3A_495 : memref<1x16x1024xf32, #tpu.memory_space<vmem>> -> memref<16x1024xf32, #tpu.memory_space<vmem>>
      tpu.enqueue_dma source(%dma_start3A_496 : memref<16x1024xf32, #tpu.memory_space<vmem>>) target(%dma_start3A_492 : memref<16x1024xf32, #tpu.memory_space<hbm>>) target_semaphore(%dma_start3A_489 : memref<!tpu.dma_semaphore, #tpu.memory_space<semaphore_mem>>)
      %dma_wait3A_497 = arith.constant 2 : i32
      %dma_wait3A_498 = arith.constant 2 : i32
      %dma_wait3A_499 = arith.constant 0 : i32
      %dma_wait3A_500 = arith.constant 0 : i32
      %dma_wait3A_501 = tpu.memref_slice %arg6[%dma_wait3A_497, %dma_wait3A_499, %dma_wait3A_500] : memref<4x16x1024xf32, #tpu.memory_space<vmem>> -> memref<1x16x1024xf32, #tpu.memory_space<vmem>>
      %dma_wait3A_502 = tpu.memref_squeeze %dma_wait3A_501 : memref<1x16x1024xf32, #tpu.memory_space<vmem>> -> memref<16x1024xf32, #tpu.memory_space<vmem>>
      %dma_wait3A_503 = arith.constant 0 : i32
      %dma_wait3A_504 = tpu.memref_slice %arg4[%select_n3A, %add3A_478, %dma_wait3A_503] : memref<4x4096x1024xf32, #tpu.memory_space<hbm>> -> memref<1x16x1024xf32, #tpu.memory_space<hbm>>
      %dma_wait3A_505 = tpu.memref_squeeze %dma_wait3A_504 : memref<1x16x1024xf32, #tpu.memory_space<hbm>> -> memref<16x1024xf32, #tpu.memory_space<hbm>>
      %dma_wait3A_506 = tpu.memref_slice %arg8[%dma_wait3A_498] : memref<4x!tpu.dma_semaphore, #tpu.memory_space<semaphore_mem>> -> memref<1x!tpu.dma_semaphore, #tpu.memory_space<semaphore_mem>>
      %dma_wait3A_507 = tpu.memref_squeeze %dma_wait3A_506 : memref<1x!tpu.dma_semaphore, #tpu.memory_space<semaphore_mem>> -> memref<!tpu.dma_semaphore, #tpu.memory_space<semaphore_mem>>
      %dma_wait3A_508 = arith.constant 0 : i32
      %dma_wait3A_509 = tpu.memref_slice %arg4[%select_n3A, %add3A_478, %dma_wait3A_508] : memref<4x4096x1024xf32, #tpu.memory_space<hbm>> -> memref<1x16x1024xf32, #tpu.memory_space<hbm>>
      %dma_wait3A_510 = tpu.memref_squeeze %dma_wait3A_509 : memref<1x16x1024xf32, #tpu.memory_space<hbm>> -> memref<16x1024xf32, #tpu.memory_space<hbm>>
      %dma_wait3A_511 = arith.constant 0 : i32
      %dma_wait3A_512 = arith.constant 0 : i32
      %dma_wait3A_513 = tpu.memref_slice %arg6[%dma_wait3A_497, %dma_wait3A_511, %dma_wait3A_512] : memref<4x16x1024xf32, #tpu.memory_space<vmem>> -> memref<1x16x1024xf32, #tpu.memory_space<vmem>>
      %dma_wait3A_514 = tpu.memref_squeeze %dma_wait3A_513 : memref<1x16x1024xf32, #tpu.memory_space<vmem>> -> memref<16x1024xf32, #tpu.memory_space<vmem>>
      tpu.wait_dma2 semaphore(%dma_wait3A_507 : memref<!tpu.dma_semaphore, #tpu.memory_space<semaphore_mem>>) src(%dma_wait3A_514 : memref<16x1024xf32, #tpu.memory_space<vmem>>) dst(%dma_wait3A_510 : memref<16x1024xf32, #tpu.memory_space<hbm>>)
      %add3A_515 = arith.constant 4 : i32
      %add3A_516 = arith.addi %add3A_459, %add3A_515 : i32
      %mul3A_517 = arith.constant 16 : i32
      %mul3A_518 = arith.muli %add3A_516, %mul3A_517 : i32
      %get3A_519 = arith.index_cast %mul3A_518 : i32 to index
      %get3A_520 = tpu.vector_load %arg5[%get3A_519] {strides = array<i32>} : memref<512xi32, #tpu.memory_space<vmem>>, vector<16xi32>,
      %get3A_521 = vector.shape_cast %get3A_520 : vector<16xi32> to vector<16xi32>
      %dma_start3A_522 = arith.constant 2 : i32
      %dma_start3A_523 = arith.constant 2 : i32
      %dma_start3A_524 = arith.constant 0 : i32
      %dma_start3A_525 = arith.constant 0 : i32
      %dma_start3A_526 = tpu.memref_slice %arg6[%dma_start3A_522, %dma_start3A_524, %dma_start3A_525] : memref<4x16x1024xf32, #tpu.memory_space<vmem>> -> memref<1x16x1024xf32, #tpu.memory_space<vmem>>
      %dma_start3A_527 = tpu.memref_squeeze %dma_start3A_526 : memref<1x16x1024xf32, #tpu.memory_space<vmem>> -> memref<16x1024xf32, #tpu.memory_space<vmem>>
      %dma_start3A_528 = arith.constant 0 : i32
      %dma_start3A_529 = arith.constant 0 : i32
      %dma_start3A_530 = tpu.memref_slice %arg3[%dma_start3A_528, %dma_start3A_529] : memref<100000x1024xf32, #tpu.memory_space<hbm>> -> memref<100000x1024xf32, #tpu.memory_space<hbm>>
      %dma_start3A_531 = tpu.memref_slice %arg7[%dma_start3A_523] : memref<4x!tpu.dma_semaphore, #tpu.memory_space<semaphore_mem>> -> memref<1x!tpu.dma_semaphore, #tpu.memory_space<semaphore_mem>>
      %dma_start3A_532 = tpu.memref_squeeze %dma_start3A_531 : memref<1x!tpu.dma_semaphore, #tpu.memory_space<semaphore_mem>> -> memref<!tpu.dma_semaphore, #tpu.memory_space<semaphore_mem>>
      tpu.enqueue_indirect_dma source(%dma_start3A_530 : memref<100000x1024xf32, #tpu.memory_space<hbm>>) target(%dma_start3A_527 : memref<16x1024xf32, #tpu.memory_space<vmem>>) offsets(%get3A_521 : vector<16xi32>) semaphore(%dma_start3A_532 : memref<!tpu.dma_semaphore, #tpu.memory_space<semaphore_mem>>)
      %mul3A_533 = arith.constant 4 : i32
      %mul3A_534 = arith.muli %scan3A_300, %mul3A_533 : i32
      %add3A_535 = arith.constant 3 : i32
      %add3A_536 = arith.addi %mul3A_534, %add3A_535 : i32
      %mul3A_537 = arith.constant 16 : i32
      %mul3A_538 = arith.muli %add3A_536, %mul3A_537 : i32
      %get3A_539 = arith.index_cast %mul3A_538 : i32 to index
      %get3A_540 = tpu.vector_load %arg5[%get3A_539] {strides = array<i32>} : memref<512xi32, #tpu.memory_space<vmem>>, vector<16xi32>,
      %get3A_541 = vector.shape_cast %get3A_540 : vector<16xi32> to vector<16xi32>
      %dma_wait3A_542 = arith.constant 3 : i32
      %dma_wait3A_543 = arith.constant 3 : i32
      %dma_wait3A_544 = arith.constant 0 : i32
      %dma_wait3A_545 = arith.constant 0 : i32
      %dma_wait3A_546 = tpu.memref_slice %arg6[%dma_wait3A_542, %dma_wait3A_544, %dma_wait3A_545] : memref<4x16x1024xf32, #tpu.memory_space<vmem>> -> memref<1x16x1024xf32, #tpu.memory_space<vmem>>
      %dma_wait3A_547 = tpu.memref_squeeze %dma_wait3A_546 : memref<1x16x1024xf32, #tpu.memory_space<vmem>> -> memref<16x1024xf32, #tpu.memory_space<vmem>>
      %dma_wait3A_548 = arith.constant 0 : i32
      %dma_wait3A_549 = arith.constant 0 : i32
      %dma_wait3A_550 = tpu.memref_slice %arg3[%dma_wait3A_548, %dma_wait3A_549] : memref<100000x1024xf32, #tpu.memory_space<hbm>> -> memref<100000x1024xf32, #tpu.memory_space<hbm>>
      %dma_wait3A_551 = tpu.memref_slice %arg7[%dma_wait3A_543] : memref<4x!tpu.dma_semaphore, #tpu.memory_space<semaphore_mem>> -> memref<1x!tpu.dma_semaphore, #tpu.memory_space<semaphore_mem>>
      %dma_wait3A_552 = tpu.memref_squeeze %dma_wait3A_551 : memref<1x!tpu.dma_semaphore, #tpu.memory_space<semaphore_mem>> -> memref<!tpu.dma_semaphore, #tpu.memory_space<semaphore_mem>>
      tpu.wait_indirect_dma semaphore(%dma_wait3A_552 : memref<!tpu.dma_semaphore, #tpu.memory_space<semaphore_mem>>) src(%dma_wait3A_550 : memref<100000x1024xf32, #tpu.memory_space<hbm>>) dst(%dma_wait3A_547 : memref<16x1024xf32, #tpu.memory_space<vmem>>)
      %mul3A_553 = arith.constant 16 : i32
      %mul3A_554 = arith.muli %add3A_536, %mul3A_553 : i32
      %add3A_555 = arith.addi %mul3A_32, %mul3A_554 : i32
      %dma_start3A_556 = arith.constant 3 : i32
      %dma_start3A_557 = arith.constant 3 : i32
      %dma_start3A_558 = arith.constant 0 : i32
      %dma_start3A_559 = arith.constant 0 : i32
      %dma_start3A_560 = tpu.memref_slice %arg6[%dma_start3A_556, %dma_start3A_558, %dma_start3A_559] : memref<4x16x1024xf32, #tpu.memory_space<vmem>> -> memref<1x16x1024xf32, #tpu.memory_space<vmem>>
      %dma_start3A_561 = tpu.memref_squeeze %dma_start3A_560 : memref<1x16x1024xf32, #tpu.memory_space<vmem>> -> memref<16x1024xf32, #tpu.memory_space<vmem>>
      %dma_start3A_562 = arith.constant 0 : i32
      %dma_start3A_563 = tpu.memref_slice %arg4[%select_n3A, %add3A_555, %dma_start3A_562] : memref<4x4096x1024xf32, #tpu.memory_space<hbm>> -> memref<1x16x1024xf32, #tpu.memory_space<hbm>>
      %dma_start3A_564 = tpu.memref_squeeze %dma_start3A_563 : memref<1x16x1024xf32, #tpu.memory_space<hbm>> -> memref<16x1024xf32, #tpu.memory_space<hbm>>
      %dma_start3A_565 = tpu.memref_slice %arg8[%dma_start3A_557] : memref<4x!tpu.dma_semaphore, #tpu.memory_space<semaphore_mem>> -> memref<1x!tpu.dma_semaphore, #tpu.memory_space<semaphore_mem>>
      %dma_start3A_566 = tpu.memref_squeeze %dma_start3A_565 : memref<1x!tpu.dma_semaphore, #tpu.memory_space<semaphore_mem>> -> memref<!tpu.dma_semaphore, #tpu.memory_space<semaphore_mem>>
      %dma_start3A_567 = arith.constant 0 : i32
      %dma_start3A_568 = tpu.memref_slice %arg4[%select_n3A, %add3A_555, %dma_start3A_567] : memref<4x4096x1024xf32, #tpu.memory_space<hbm>> -> memref<1x16x1024xf32, #tpu.memory_space<hbm>>
      %dma_start3A_569 = tpu.memref_squeeze %dma_start3A_568 : memref<1x16x1024xf32, #tpu.memory_space<hbm>> -> memref<16x1024xf32, #tpu.memory_space<hbm>>
      %dma_start3A_570 = arith.constant 0 : i32
      %dma_start3A_571 = arith.constant 0 : i32
      %dma_start3A_572 = tpu.memref_slice %arg6[%dma_start3A_556, %dma_start3A_570, %dma_start3A_571] : memref<4x16x1024xf32, #tpu.memory_space<vmem>> -> memref<1x16x1024xf32, #tpu.memory_space<vmem>>
      %dma_start3A_573 = tpu.memref_squeeze %dma_start3A_572 : memref<1x16x1024xf32, #tpu.memory_space<vmem>> -> memref<16x1024xf32, #tpu.memory_space<vmem>>
      tpu.enqueue_dma source(%dma_start3A_573 : memref<16x1024xf32, #tpu.memory_space<vmem>>) target(%dma_start3A_569 : memref<16x1024xf32, #tpu.memory_space<hbm>>) target_semaphore(%dma_start3A_566 : memref<!tpu.dma_semaphore, #tpu.memory_space<semaphore_mem>>)
      %dma_wait3A_574 = arith.constant 3 : i32
      %dma_wait3A_575 = arith.constant 3 : i32
      %dma_wait3A_576 = arith.constant 0 : i32
      %dma_wait3A_577 = arith.constant 0 : i32
      %dma_wait3A_578 = tpu.memref_slice %arg6[%dma_wait3A_574, %dma_wait3A_576, %dma_wait3A_577] : memref<4x16x1024xf32, #tpu.memory_space<vmem>> -> memref<1x16x1024xf32, #tpu.memory_space<vmem>>
      %dma_wait3A_579 = tpu.memref_squeeze %dma_wait3A_578 : memref<1x16x1024xf32, #tpu.memory_space<vmem>> -> memref<16x1024xf32, #tpu.memory_space<vmem>>
      %dma_wait3A_580 = arith.constant 0 : i32
      %dma_wait3A_581 = tpu.memref_slice %arg4[%select_n3A, %add3A_555, %dma_wait3A_580] : memref<4x4096x1024xf32, #tpu.memory_space<hbm>> -> memref<1x16x1024xf32, #tpu.memory_space<hbm>>
      %dma_wait3A_582 = tpu.memref_squeeze %dma_wait3A_581 : memref<1x16x1024xf32, #tpu.memory_space<hbm>> -> memref<16x1024xf32, #tpu.memory_space<hbm>>
      %dma_wait3A_583 = tpu.memref_slice %arg8[%dma_wait3A_575] : memref<4x!tpu.dma_semaphore, #tpu.memory_space<semaphore_mem>> -> memref<1x!tpu.dma_semaphore, #tpu.memory_space<semaphore_mem>>
      %dma_wait3A_584 = tpu.memref_squeeze %dma_wait3A_583 : memref<1x!tpu.dma_semaphore, #tpu.memory_space<semaphore_mem>> -> memref<!tpu.dma_semaphore, #tpu.memory_space<semaphore_mem>>
      %dma_wait3A_585 = arith.constant 0 : i32
      %dma_wait3A_586 = tpu.memref_slice %arg4[%select_n3A, %add3A_555, %dma_wait3A_585] : memref<4x4096x1024xf32, #tpu.memory_space<hbm>> -> memref<1x16x1024xf32, #tpu.memory_space<hbm>>
      %dma_wait3A_587 = tpu.memref_squeeze %dma_wait3A_586 : memref<1x16x1024xf32, #tpu.memory_space<hbm>> -> memref<16x1024xf32, #tpu.memory_space<hbm>>
      %dma_wait3A_588 = arith.constant 0 : i32
      %dma_wait3A_589 = arith.constant 0 : i32
      %dma_wait3A_590 = tpu.memref_slice %arg6[%dma_wait3A_574, %dma_wait3A_588, %dma_wait3A_589] : memref<4x16x1024xf32, #tpu.memory_space<vmem>> -> memref<1x16x1024xf32, #tpu.memory_space<vmem>>
      %dma_wait3A_591 = tpu.memref_squeeze %dma_wait3A_590 : memref<1x16x1024xf32, #tpu.memory_space<vmem>> -> memref<16x1024xf32, #tpu.memory_space<vmem>>
      tpu.wait_dma2 semaphore(%dma_wait3A_584 : memref<!tpu.dma_semaphore, #tpu.memory_space<semaphore_mem>>) src(%dma_wait3A_591 : memref<16x1024xf32, #tpu.memory_space<vmem>>) dst(%dma_wait3A_587 : memref<16x1024xf32, #tpu.memory_space<hbm>>)
      %add3A_592 = arith.constant 4 : i32
      %add3A_593 = arith.addi %add3A_536, %add3A_592 : i32
      %mul3A_594 = arith.constant 16 : i32
      %mul3A_595 = arith.muli %add3A_593, %mul3A_594 : i32
      %get3A_596 = arith.index_cast %mul3A_595 : i32 to index
      %get3A_597 = tpu.vector_load %arg5[%get3A_596] {strides = array<i32>} : memref<512xi32, #tpu.memory_space<vmem>>, vector<16xi32>,
      %get3A_598 = vector.shape_cast %get3A_597 : vector<16xi32> to vector<16xi32>
      %dma_start3A_599 = arith.constant 3 : i32
      %dma_start3A_600 = arith.constant 3 : i32
      %dma_start3A_601 = arith.constant 0 : i32
      %dma_start3A_602 = arith.constant 0 : i32
      %dma_start3A_603 = tpu.memref_slice %arg6[%dma_start3A_599, %dma_start3A_601, %dma_start3A_602] : memref<4x16x1024xf32, #tpu.memory_space<vmem>> -> memref<1x16x1024xf32, #tpu.memory_space<vmem>>
      %dma_start3A_604 = tpu.memref_squeeze %dma_start3A_603 : memref<1x16x1024xf32, #tpu.memory_space<vmem>> -> memref<16x1024xf32, #tpu.memory_space<vmem>>
      %dma_start3A_605 = arith.constant 0 : i32
      %dma_start3A_606 = arith.constant 0 : i32
      %dma_start3A_607 = tpu.memref_slice %arg3[%dma_start3A_605, %dma_start3A_606] : memref<100000x1024xf32, #tpu.memory_space<hbm>> -> memref<100000x1024xf32, #tpu.memory_space<hbm>>
      %dma_start3A_608 = tpu.memref_slice %arg7[%dma_start3A_600] : memref<4x!tpu.dma_semaphore, #tpu.memory_space<semaphore_mem>> -> memref<1x!tpu.dma_semaphore, #tpu.memory_space<semaphore_mem>>
      %dma_start3A_609 = tpu.memref_squeeze %dma_start3A_608 : memref<1x!tpu.dma_semaphore, #tpu.memory_space<semaphore_mem>> -> memref<!tpu.dma_semaphore, #tpu.memory_space<semaphore_mem>>
      tpu.enqueue_indirect_dma source(%dma_start3A_607 : memref<100000x1024xf32, #tpu.memory_space<hbm>>) target(%dma_start3A_604 : memref<16x1024xf32, #tpu.memory_space<vmem>>) offsets(%get3A_598 : vector<16xi32>) semaphore(%dma_start3A_609 : memref<!tpu.dma_semaphore, #tpu.memory_space<semaphore_mem>>)
      %scan3A_610 = arith.constant 0 : i32
      scf.yield %scan3A_610 : i32
    }
    %scan3A_92 = arith.constant 7 : i32
    %get3A_93 = arith.constant 448 : index
    %get3A_94 = tpu.vector_load %arg5[%get3A_93] {strides = array<i32>} : memref<512xi32, #tpu.memory_space<vmem>>, vector<16xi32>,
    %get3A_95 = vector.shape_cast %get3A_94 : vector<16xi32> to vector<16xi32>
    %dma_wait3A = arith.constant 0 : i32
    %dma_wait3A_96 = arith.constant 0 : i32
    %dma_wait3A_97 = arith.constant 0 : i32
    %dma_wait3A_98 = arith.constant 0 : i32
    %dma_wait3A_99 = tpu.memref_slice %arg6[%dma_wait3A, %dma_wait3A_97, %dma_wait3A_98] : memref<4x16x1024xf32, #tpu.memory_space<vmem>> -> memref<1x16x1024xf32, #tpu.memory_space<vmem>>
    %dma_wait3A_100 = tpu.memref_squeeze %dma_wait3A_99 : memref<1x16x1024xf32, #tpu.memory_space<vmem>> -> memref<16x1024xf32, #tpu.memory_space<vmem>>
    %dma_wait3A_101 = arith.constant 0 : i32
    %dma_wait3A_102 = arith.constant 0 : i32
    %dma_wait3A_103 = tpu.memref_slice %arg3[%dma_wait3A_101, %dma_wait3A_102] : memref<100000x1024xf32, #tpu.memory_space<hbm>> -> memref<100000x1024xf32, #tpu.memory_space<hbm>>
    %dma_wait3A_104 = tpu.memref_slice %arg7[%dma_wait3A_96] : memref<4x!tpu.dma_semaphore, #tpu.memory_space<semaphore_mem>> -> memref<1x!tpu.dma_semaphore, #tpu.memory_space<semaphore_mem>>
    %dma_wait3A_105 = tpu.memref_squeeze %dma_wait3A_104 : memref<1x!tpu.dma_semaphore, #tpu.memory_space<semaphore_mem>> -> memref<!tpu.dma_semaphore, #tpu.memory_space<semaphore_mem>>
    tpu.wait_indirect_dma semaphore(%dma_wait3A_105 : memref<!tpu.dma_semaphore, #tpu.memory_space<semaphore_mem>>) src(%dma_wait3A_103 : memref<100000x1024xf32, #tpu.memory_space<hbm>>) dst(%dma_wait3A_100 : memref<16x1024xf32, #tpu.memory_space<vmem>>)
    %add3A_106 = arith.constant 448 : i32
    %add3A_107 = arith.addi %mul3A_32, %add3A_106 : i32
    %dma_start3A_108 = arith.constant 0 : i32
    %dma_start3A_109 = arith.constant 0 : i32
    %dma_start3A_110 = arith.constant 0 : i32
    %dma_start3A_111 = arith.constant 0 : i32
    %dma_start3A_112 = tpu.memref_slice %arg6[%dma_start3A_108, %dma_start3A_110, %dma_start3A_111] : memref<4x16x1024xf32, #tpu.memory_space<vmem>> -> memref<1x16x1024xf32, #tpu.memory_space<vmem>>
    %dma_start3A_113 = tpu.memref_squeeze %dma_start3A_112 : memref<1x16x1024xf32, #tpu.memory_space<vmem>> -> memref<16x1024xf32, #tpu.memory_space<vmem>>
    %dma_start3A_114 = arith.constant 0 : i32
    %dma_start3A_115 = tpu.memref_slice %arg4[%select_n3A, %add3A_107, %dma_start3A_114] : memref<4x4096x1024xf32, #tpu.memory_space<hbm>> -> memref<1x16x1024xf32, #tpu.memory_space<hbm>>
    %dma_start3A_116 = tpu.memref_squeeze %dma_start3A_115 : memref<1x16x1024xf32, #tpu.memory_space<hbm>> -> memref<16x1024xf32, #tpu.memory_space<hbm>>
    %dma_start3A_117 = tpu.memref_slice %arg8[%dma_start3A_109] : memref<4x!tpu.dma_semaphore, #tpu.memory_space<semaphore_mem>> -> memref<1x!tpu.dma_semaphore, #tpu.memory_space<semaphore_mem>>
    %dma_start3A_118 = tpu.memref_squeeze %dma_start3A_117 : memref<1x!tpu.dma_semaphore, #tpu.memory_space<semaphore_mem>> -> memref<!tpu.dma_semaphore, #tpu.memory_space<semaphore_mem>>
    %dma_start3A_119 = arith.constant 0 : i32
    %dma_start3A_120 = tpu.memref_slice %arg4[%select_n3A, %add3A_107, %dma_start3A_119] : memref<4x4096x1024xf32, #tpu.memory_space<hbm>> -> memref<1x16x1024xf32, #tpu.memory_space<hbm>>
    %dma_start3A_121 = tpu.memref_squeeze %dma_start3A_120 : memref<1x16x1024xf32, #tpu.memory_space<hbm>> -> memref<16x1024xf32, #tpu.memory_space<hbm>>
    %dma_start3A_122 = arith.constant 0 : i32
    %dma_start3A_123 = arith.constant 0 : i32
    %dma_start3A_124 = tpu.memref_slice %arg6[%dma_start3A_108, %dma_start3A_122, %dma_start3A_123] : memref<4x16x1024xf32, #tpu.memory_space<vmem>> -> memref<1x16x1024xf32, #tpu.memory_space<vmem>>
    %dma_start3A_125 = tpu.memref_squeeze %dma_start3A_124 : memref<1x16x1024xf32, #tpu.memory_space<vmem>> -> memref<16x1024xf32, #tpu.memory_space<vmem>>
    tpu.enqueue_dma source(%dma_start3A_125 : memref<16x1024xf32, #tpu.memory_space<vmem>>) target(%dma_start3A_121 : memref<16x1024xf32, #tpu.memory_space<hbm>>) target_semaphore(%dma_start3A_118 : memref<!tpu.dma_semaphore, #tpu.memory_space<semaphore_mem>>)
    %dma_wait3A_126 = arith.constant 0 : i32
    %dma_wait3A_127 = arith.constant 0 : i32
    %dma_wait3A_128 = arith.constant 0 : i32
    %dma_wait3A_129 = arith.constant 0 : i32
    %dma_wait3A_130 = tpu.memref_slice %arg6[%dma_wait3A_126, %dma_wait3A_128, %dma_wait3A_129] : memref<4x16x1024xf32, #tpu.memory_space<vmem>> -> memref<1x16x1024xf32, #tpu.memory_space<vmem>>
    %dma_wait3A_131 = tpu.memref_squeeze %dma_wait3A_130 : memref<1x16x1024xf32, #tpu.memory_space<vmem>> -> memref<16x1024xf32, #tpu.memory_space<vmem>>
    %dma_wait3A_132 = arith.constant 0 : i32
    %dma_wait3A_133 = tpu.memref_slice %arg4[%select_n3A, %add3A_107, %dma_wait3A_132] : memref<4x4096x1024xf32, #tpu.memory_space<hbm>> -> memref<1x16x1024xf32, #tpu.memory_space<hbm>>
    %dma_wait3A_134 = tpu.memref_squeeze %dma_wait3A_133 : memref<1x16x1024xf32, #tpu.memory_space<hbm>> -> memref<16x1024xf32, #tpu.memory_space<hbm>>
    %dma_wait3A_135 = tpu.memref_slice %arg8[%dma_wait3A_127] : memref<4x!tpu.dma_semaphore, #tpu.memory_space<semaphore_mem>> -> memref<1x!tpu.dma_semaphore, #tpu.memory_space<semaphore_mem>>
    %dma_wait3A_136 = tpu.memref_squeeze %dma_wait3A_135 : memref<1x!tpu.dma_semaphore, #tpu.memory_space<semaphore_mem>> -> memref<!tpu.dma_semaphore, #tpu.memory_space<semaphore_mem>>
    %dma_wait3A_137 = arith.constant 0 : i32
    %dma_wait3A_138 = tpu.memref_slice %arg4[%select_n3A, %add3A_107, %dma_wait3A_137] : memref<4x4096x1024xf32, #tpu.memory_space<hbm>> -> memref<1x16x1024xf32, #tpu.memory_space<hbm>>
    %dma_wait3A_139 = tpu.memref_squeeze %dma_wait3A_138 : memref<1x16x1024xf32, #tpu.memory_space<hbm>> -> memref<16x1024xf32, #tpu.memory_space<hbm>>
    %dma_wait3A_140 = arith.constant 0 : i32
    %dma_wait3A_141 = arith.constant 0 : i32
    %dma_wait3A_142 = tpu.memref_slice %arg6[%dma_wait3A_126, %dma_wait3A_140, %dma_wait3A_141] : memref<4x16x1024xf32, #tpu.memory_space<vmem>> -> memref<1x16x1024xf32, #tpu.memory_space<vmem>>
    %dma_wait3A_143 = tpu.memref_squeeze %dma_wait3A_142 : memref<1x16x1024xf32, #tpu.memory_space<vmem>> -> memref<16x1024xf32, #tpu.memory_space<vmem>>
    tpu.wait_dma2 semaphore(%dma_wait3A_136 : memref<!tpu.dma_semaphore, #tpu.memory_space<semaphore_mem>>) src(%dma_wait3A_143 : memref<16x1024xf32, #tpu.memory_space<vmem>>) dst(%dma_wait3A_139 : memref<16x1024xf32, #tpu.memory_space<hbm>>)
    %get3A_144 = arith.constant 464 : index
    %get3A_145 = tpu.vector_load %arg5[%get3A_144] {strides = array<i32>} : memref<512xi32, #tpu.memory_space<vmem>>, vector<16xi32>,
    %get3A_146 = vector.shape_cast %get3A_145 : vector<16xi32> to vector<16xi32>
    %dma_wait3A_147 = arith.constant 1 : i32
    %dma_wait3A_148 = arith.constant 1 : i32
    %dma_wait3A_149 = arith.constant 0 : i32
    %dma_wait3A_150 = arith.constant 0 : i32
    %dma_wait3A_151 = tpu.memref_slice %arg6[%dma_wait3A_147, %dma_wait3A_149, %dma_wait3A_150] : memref<4x16x1024xf32, #tpu.memory_space<vmem>> -> memref<1x16x1024xf32, #tpu.memory_space<vmem>>
    %dma_wait3A_152 = tpu.memref_squeeze %dma_wait3A_151 : memref<1x16x1024xf32, #tpu.memory_space<vmem>> -> memref<16x1024xf32, #tpu.memory_space<vmem>>
    %dma_wait3A_153 = arith.constant 0 : i32
    %dma_wait3A_154 = arith.constant 0 : i32
    %dma_wait3A_155 = tpu.memref_slice %arg3[%dma_wait3A_153, %dma_wait3A_154] : memref<100000x1024xf32, #tpu.memory_space<hbm>> -> memref<100000x1024xf32, #tpu.memory_space<hbm>>
    %dma_wait3A_156 = tpu.memref_slice %arg7[%dma_wait3A_148] : memref<4x!tpu.dma_semaphore, #tpu.memory_space<semaphore_mem>> -> memref<1x!tpu.dma_semaphore, #tpu.memory_space<semaphore_mem>>
    %dma_wait3A_157 = tpu.memref_squeeze %dma_wait3A_156 : memref<1x!tpu.dma_semaphore, #tpu.memory_space<semaphore_mem>> -> memref<!tpu.dma_semaphore, #tpu.memory_space<semaphore_mem>>
    tpu.wait_indirect_dma semaphore(%dma_wait3A_157 : memref<!tpu.dma_semaphore, #tpu.memory_space<semaphore_mem>>) src(%dma_wait3A_155 : memref<100000x1024xf32, #tpu.memory_space<hbm>>) dst(%dma_wait3A_152 : memref<16x1024xf32, #tpu.memory_space<vmem>>)
    %add3A_158 = arith.constant 464 : i32
    %add3A_159 = arith.addi %mul3A_32, %add3A_158 : i32
    %dma_start3A_160 = arith.constant 1 : i32
    %dma_start3A_161 = arith.constant 1 : i32
    %dma_start3A_162 = arith.constant 0 : i32
    %dma_start3A_163 = arith.constant 0 : i32
    %dma_start3A_164 = tpu.memref_slice %arg6[%dma_start3A_160, %dma_start3A_162, %dma_start3A_163] : memref<4x16x1024xf32, #tpu.memory_space<vmem>> -> memref<1x16x1024xf32, #tpu.memory_space<vmem>>
    %dma_start3A_165 = tpu.memref_squeeze %dma_start3A_164 : memref<1x16x1024xf32, #tpu.memory_space<vmem>> -> memref<16x1024xf32, #tpu.memory_space<vmem>>
    %dma_start3A_166 = arith.constant 0 : i32
    %dma_start3A_167 = tpu.memref_slice %arg4[%select_n3A, %add3A_159, %dma_start3A_166] : memref<4x4096x1024xf32, #tpu.memory_space<hbm>> -> memref<1x16x1024xf32, #tpu.memory_space<hbm>>
    %dma_start3A_168 = tpu.memref_squeeze %dma_start3A_167 : memref<1x16x1024xf32, #tpu.memory_space<hbm>> -> memref<16x1024xf32, #tpu.memory_space<hbm>>
    %dma_start3A_169 = tpu.memref_slice %arg8[%dma_start3A_161] : memref<4x!tpu.dma_semaphore, #tpu.memory_space<semaphore_mem>> -> memref<1x!tpu.dma_semaphore, #tpu.memory_space<semaphore_mem>>
    %dma_start3A_170 = tpu.memref_squeeze %dma_start3A_169 : memref<1x!tpu.dma_semaphore, #tpu.memory_space<semaphore_mem>> -> memref<!tpu.dma_semaphore, #tpu.memory_space<semaphore_mem>>
    %dma_start3A_171 = arith.constant 0 : i32
    %dma_start3A_172 = tpu.memref_slice %arg4[%select_n3A, %add3A_159, %dma_start3A_171] : memref<4x4096x1024xf32, #tpu.memory_space<hbm>> -> memref<1x16x1024xf32, #tpu.memory_space<hbm>>
    %dma_start3A_173 = tpu.memref_squeeze %dma_start3A_172 : memref<1x16x1024xf32, #tpu.memory_space<hbm>> -> memref<16x1024xf32, #tpu.memory_space<hbm>>
    %dma_start3A_174 = arith.constant 0 : i32
    %dma_start3A_175 = arith.constant 0 : i32
    %dma_start3A_176 = tpu.memref_slice %arg6[%dma_start3A_160, %dma_start3A_174, %dma_start3A_175] : memref<4x16x1024xf32, #tpu.memory_space<vmem>> -> memref<1x16x1024xf32, #tpu.memory_space<vmem>>
    %dma_start3A_177 = tpu.memref_squeeze %dma_start3A_176 : memref<1x16x1024xf32, #tpu.memory_space<vmem>> -> memref<16x1024xf32, #tpu.memory_space<vmem>>
    tpu.enqueue_dma source(%dma_start3A_177 : memref<16x1024xf32, #tpu.memory_space<vmem>>) target(%dma_start3A_173 : memref<16x1024xf32, #tpu.memory_space<hbm>>) target_semaphore(%dma_start3A_170 : memref<!tpu.dma_semaphore, #tpu.memory_space<semaphore_mem>>)
    %dma_wait3A_178 = arith.constant 1 : i32
    %dma_wait3A_179 = arith.constant 1 : i32
    %dma_wait3A_180 = arith.constant 0 : i32
    %dma_wait3A_181 = arith.constant 0 : i32
    %dma_wait3A_182 = tpu.memref_slice %arg6[%dma_wait3A_178, %dma_wait3A_180, %dma_wait3A_181] : memref<4x16x1024xf32, #tpu.memory_space<vmem>> -> memref<1x16x1024xf32, #tpu.memory_space<vmem>>
    %dma_wait3A_183 = tpu.memref_squeeze %dma_wait3A_182 : memref<1x16x1024xf32, #tpu.memory_space<vmem>> -> memref<16x1024xf32, #tpu.memory_space<vmem>>
    %dma_wait3A_184 = arith.constant 0 : i32
    %dma_wait3A_185 = tpu.memref_slice %arg4[%select_n3A, %add3A_159, %dma_wait3A_184] : memref<4x4096x1024xf32, #tpu.memory_space<hbm>> -> memref<1x16x1024xf32, #tpu.memory_space<hbm>>
    %dma_wait3A_186 = tpu.memref_squeeze %dma_wait3A_185 : memref<1x16x1024xf32, #tpu.memory_space<hbm>> -> memref<16x1024xf32, #tpu.memory_space<hbm>>
    %dma_wait3A_187 = tpu.memref_slice %arg8[%dma_wait3A_179] : memref<4x!tpu.dma_semaphore, #tpu.memory_space<semaphore_mem>> -> memref<1x!tpu.dma_semaphore, #tpu.memory_space<semaphore_mem>>
    %dma_wait3A_188 = tpu.memref_squeeze %dma_wait3A_187 : memref<1x!tpu.dma_semaphore, #tpu.memory_space<semaphore_mem>> -> memref<!tpu.dma_semaphore, #tpu.memory_space<semaphore_mem>>
    %dma_wait3A_189 = arith.constant 0 : i32
    %dma_wait3A_190 = tpu.memref_slice %arg4[%select_n3A, %add3A_159, %dma_wait3A_189] : memref<4x4096x1024xf32, #tpu.memory_space<hbm>> -> memref<1x16x1024xf32, #tpu.memory_space<hbm>>
    %dma_wait3A_191 = tpu.memref_squeeze %dma_wait3A_190 : memref<1x16x1024xf32, #tpu.memory_space<hbm>> -> memref<16x1024xf32, #tpu.memory_space<hbm>>
    %dma_wait3A_192 = arith.constant 0 : i32
    %dma_wait3A_193 = arith.constant 0 : i32
    %dma_wait3A_194 = tpu.memref_slice %arg6[%dma_wait3A_178, %dma_wait3A_192, %dma_wait3A_193] : memref<4x16x1024xf32, #tpu.memory_space<vmem>> -> memref<1x16x1024xf32, #tpu.memory_space<vmem>>
    %dma_wait3A_195 = tpu.memref_squeeze %dma_wait3A_194 : memref<1x16x1024xf32, #tpu.memory_space<vmem>> -> memref<16x1024xf32, #tpu.memory_space<vmem>>
    tpu.wait_dma2 semaphore(%dma_wait3A_188 : memref<!tpu.dma_semaphore, #tpu.memory_space<semaphore_mem>>) src(%dma_wait3A_195 : memref<16x1024xf32, #tpu.memory_space<vmem>>) dst(%dma_wait3A_191 : memref<16x1024xf32, #tpu.memory_space<hbm>>)
    %get3A_196 = arith.constant 480 : index
    %get3A_197 = tpu.vector_load %arg5[%get3A_196] {strides = array<i32>} : memref<512xi32, #tpu.memory_space<vmem>>, vector<16xi32>,
    %get3A_198 = vector.shape_cast %get3A_197 : vector<16xi32> to vector<16xi32>
    %dma_wait3A_199 = arith.constant 2 : i32
    %dma_wait3A_200 = arith.constant 2 : i32
    %dma_wait3A_201 = arith.constant 0 : i32
    %dma_wait3A_202 = arith.constant 0 : i32
    %dma_wait3A_203 = tpu.memref_slice %arg6[%dma_wait3A_199, %dma_wait3A_201, %dma_wait3A_202] : memref<4x16x1024xf32, #tpu.memory_space<vmem>> -> memref<1x16x1024xf32, #tpu.memory_space<vmem>>
    %dma_wait3A_204 = tpu.memref_squeeze %dma_wait3A_203 : memref<1x16x1024xf32, #tpu.memory_space<vmem>> -> memref<16x1024xf32, #tpu.memory_space<vmem>>
    %dma_wait3A_205 = arith.constant 0 : i32
    %dma_wait3A_206 = arith.constant 0 : i32
    %dma_wait3A_207 = tpu.memref_slice %arg3[%dma_wait3A_205, %dma_wait3A_206] : memref<100000x1024xf32, #tpu.memory_space<hbm>> -> memref<100000x1024xf32, #tpu.memory_space<hbm>>
    %dma_wait3A_208 = tpu.memref_slice %arg7[%dma_wait3A_200] : memref<4x!tpu.dma_semaphore, #tpu.memory_space<semaphore_mem>> -> memref<1x!tpu.dma_semaphore, #tpu.memory_space<semaphore_mem>>
    %dma_wait3A_209 = tpu.memref_squeeze %dma_wait3A_208 : memref<1x!tpu.dma_semaphore, #tpu.memory_space<semaphore_mem>> -> memref<!tpu.dma_semaphore, #tpu.memory_space<semaphore_mem>>
    tpu.wait_indirect_dma semaphore(%dma_wait3A_209 : memref<!tpu.dma_semaphore, #tpu.memory_space<semaphore_mem>>) src(%dma_wait3A_207 : memref<100000x1024xf32, #tpu.memory_space<hbm>>) dst(%dma_wait3A_204 : memref<16x1024xf32, #tpu.memory_space<vmem>>)
    %add3A_210 = arith.constant 480 : i32
    %add3A_211 = arith.addi %mul3A_32, %add3A_210 : i32
    %dma_start3A_212 = arith.constant 2 : i32
    %dma_start3A_213 = arith.constant 2 : i32
    %dma_start3A_214 = arith.constant 0 : i32
    %dma_start3A_215 = arith.constant 0 : i32
    %dma_start3A_216 = tpu.memref_slice %arg6[%dma_start3A_212, %dma_start3A_214, %dma_start3A_215] : memref<4x16x1024xf32, #tpu.memory_space<vmem>> -> memref<1x16x1024xf32, #tpu.memory_space<vmem>>
    %dma_start3A_217 = tpu.memref_squeeze %dma_start3A_216 : memref<1x16x1024xf32, #tpu.memory_space<vmem>> -> memref<16x1024xf32, #tpu.memory_space<vmem>>
    %dma_start3A_218 = arith.constant 0 : i32
    %dma_start3A_219 = tpu.memref_slice %arg4[%select_n3A, %add3A_211, %dma_start3A_218] : memref<4x4096x1024xf32, #tpu.memory_space<hbm>> -> memref<1x16x1024xf32, #tpu.memory_space<hbm>>
    %dma_start3A_220 = tpu.memref_squeeze %dma_start3A_219 : memref<1x16x1024xf32, #tpu.memory_space<hbm>> -> memref<16x1024xf32, #tpu.memory_space<hbm>>
    %dma_start3A_221 = tpu.memref_slice %arg8[%dma_start3A_213] : memref<4x!tpu.dma_semaphore, #tpu.memory_space<semaphore_mem>> -> memref<1x!tpu.dma_semaphore, #tpu.memory_space<semaphore_mem>>
    %dma_start3A_222 = tpu.memref_squeeze %dma_start3A_221 : memref<1x!tpu.dma_semaphore, #tpu.memory_space<semaphore_mem>> -> memref<!tpu.dma_semaphore, #tpu.memory_space<semaphore_mem>>
    %dma_start3A_223 = arith.constant 0 : i32
    %dma_start3A_224 = tpu.memref_slice %arg4[%select_n3A, %add3A_211, %dma_start3A_223] : memref<4x4096x1024xf32, #tpu.memory_space<hbm>> -> memref<1x16x1024xf32, #tpu.memory_space<hbm>>
    %dma_start3A_225 = tpu.memref_squeeze %dma_start3A_224 : memref<1x16x1024xf32, #tpu.memory_space<hbm>> -> memref<16x1024xf32, #tpu.memory_space<hbm>>
    %dma_start3A_226 = arith.constant 0 : i32
    %dma_start3A_227 = arith.constant 0 : i32
    %dma_start3A_228 = tpu.memref_slice %arg6[%dma_start3A_212, %dma_start3A_226, %dma_start3A_227] : memref<4x16x1024xf32, #tpu.memory_space<vmem>> -> memref<1x16x1024xf32, #tpu.memory_space<vmem>>
    %dma_start3A_229 = tpu.memref_squeeze %dma_start3A_228 : memref<1x16x1024xf32, #tpu.memory_space<vmem>> -> memref<16x1024xf32, #tpu.memory_space<vmem>>
    tpu.enqueue_dma source(%dma_start3A_229 : memref<16x1024xf32, #tpu.memory_space<vmem>>) target(%dma_start3A_225 : memref<16x1024xf32, #tpu.memory_space<hbm>>) target_semaphore(%dma_start3A_222 : memref<!tpu.dma_semaphore, #tpu.memory_space<semaphore_mem>>)
    %dma_wait3A_230 = arith.constant 2 : i32
    %dma_wait3A_231 = arith.constant 2 : i32
    %dma_wait3A_232 = arith.constant 0 : i32
    %dma_wait3A_233 = arith.constant 0 : i32
    %dma_wait3A_234 = tpu.memref_slice %arg6[%dma_wait3A_230, %dma_wait3A_232, %dma_wait3A_233] : memref<4x16x1024xf32, #tpu.memory_space<vmem>> -> memref<1x16x1024xf32, #tpu.memory_space<vmem>>
    %dma_wait3A_235 = tpu.memref_squeeze %dma_wait3A_234 : memref<1x16x1024xf32, #tpu.memory_space<vmem>> -> memref<16x1024xf32, #tpu.memory_space<vmem>>
    %dma_wait3A_236 = arith.constant 0 : i32
    %dma_wait3A_237 = tpu.memref_slice %arg4[%select_n3A, %add3A_211, %dma_wait3A_236] : memref<4x4096x1024xf32, #tpu.memory_space<hbm>> -> memref<1x16x1024xf32, #tpu.memory_space<hbm>>
    %dma_wait3A_238 = tpu.memref_squeeze %dma_wait3A_237 : memref<1x16x1024xf32, #tpu.memory_space<hbm>> -> memref<16x1024xf32, #tpu.memory_space<hbm>>
    %dma_wait3A_239 = tpu.memref_slice %arg8[%dma_wait3A_231] : memref<4x!tpu.dma_semaphore, #tpu.memory_space<semaphore_mem>> -> memref<1x!tpu.dma_semaphore, #tpu.memory_space<semaphore_mem>>
    %dma_wait3A_240 = tpu.memref_squeeze %dma_wait3A_239 : memref<1x!tpu.dma_semaphore, #tpu.memory_space<semaphore_mem>> -> memref<!tpu.dma_semaphore, #tpu.memory_space<semaphore_mem>>
    %dma_wait3A_241 = arith.constant 0 : i32
    %dma_wait3A_242 = tpu.memref_slice %arg4[%select_n3A, %add3A_211, %dma_wait3A_241] : memref<4x4096x1024xf32, #tpu.memory_space<hbm>> -> memref<1x16x1024xf32, #tpu.memory_space<hbm>>
    %dma_wait3A_243 = tpu.memref_squeeze %dma_wait3A_242 : memref<1x16x1024xf32, #tpu.memory_space<hbm>> -> memref<16x1024xf32, #tpu.memory_space<hbm>>
    %dma_wait3A_244 = arith.constant 0 : i32
    %dma_wait3A_245 = arith.constant 0 : i32
    %dma_wait3A_246 = tpu.memref_slice %arg6[%dma_wait3A_230, %dma_wait3A_244, %dma_wait3A_245] : memref<4x16x1024xf32, #tpu.memory_space<vmem>> -> memref<1x16x1024xf32, #tpu.memory_space<vmem>>
    %dma_wait3A_247 = tpu.memref_squeeze %dma_wait3A_246 : memref<1x16x1024xf32, #tpu.memory_space<vmem>> -> memref<16x1024xf32, #tpu.memory_space<vmem>>
    tpu.wait_dma2 semaphore(%dma_wait3A_240 : memref<!tpu.dma_semaphore, #tpu.memory_space<semaphore_mem>>) src(%dma_wait3A_247 : memref<16x1024xf32, #tpu.memory_space<vmem>>) dst(%dma_wait3A_243 : memref<16x1024xf32, #tpu.memory_space<hbm>>)
    %get3A_248 = arith.constant 496 : index
    %get3A_249 = tpu.vector_load %arg5[%get3A_248] {strides = array<i32>} : memref<512xi32, #tpu.memory_space<vmem>>, vector<16xi32>,
    %get3A_250 = vector.shape_cast %get3A_249 : vector<16xi32> to vector<16xi32>
    %dma_wait3A_251 = arith.constant 3 : i32
    %dma_wait3A_252 = arith.constant 3 : i32
    %dma_wait3A_253 = arith.constant 0 : i32
    %dma_wait3A_254 = arith.constant 0 : i32
    %dma_wait3A_255 = tpu.memref_slice %arg6[%dma_wait3A_251, %dma_wait3A_253, %dma_wait3A_254] : memref<4x16x1024xf32, #tpu.memory_space<vmem>> -> memref<1x16x1024xf32, #tpu.memory_space<vmem>>
    %dma_wait3A_256 = tpu.memref_squeeze %dma_wait3A_255 : memref<1x16x1024xf32, #tpu.memory_space<vmem>> -> memref<16x1024xf32, #tpu.memory_space<vmem>>
    %dma_wait3A_257 = arith.constant 0 : i32
    %dma_wait3A_258 = arith.constant 0 : i32
    %dma_wait3A_259 = tpu.memref_slice %arg3[%dma_wait3A_257, %dma_wait3A_258] : memref<100000x1024xf32, #tpu.memory_space<hbm>> -> memref<100000x1024xf32, #tpu.memory_space<hbm>>
    %dma_wait3A_260 = tpu.memref_slice %arg7[%dma_wait3A_252] : memref<4x!tpu.dma_semaphore, #tpu.memory_space<semaphore_mem>> -> memref<1x!tpu.dma_semaphore, #tpu.memory_space<semaphore_mem>>
    %dma_wait3A_261 = tpu.memref_squeeze %dma_wait3A_260 : memref<1x!tpu.dma_semaphore, #tpu.memory_space<semaphore_mem>> -> memref<!tpu.dma_semaphore, #tpu.memory_space<semaphore_mem>>
    tpu.wait_indirect_dma semaphore(%dma_wait3A_261 : memref<!tpu.dma_semaphore, #tpu.memory_space<semaphore_mem>>) src(%dma_wait3A_259 : memref<100000x1024xf32, #tpu.memory_space<hbm>>) dst(%dma_wait3A_256 : memref<16x1024xf32, #tpu.memory_space<vmem>>)
    %add3A_262 = arith.constant 496 : i32
    %add3A_263 = arith.addi %mul3A_32, %add3A_262 : i32
    %dma_start3A_264 = arith.constant 3 : i32
    %dma_start3A_265 = arith.constant 3 : i32
    %dma_start3A_266 = arith.constant 0 : i32
    %dma_start3A_267 = arith.constant 0 : i32
    %dma_start3A_268 = tpu.memref_slice %arg6[%dma_start3A_264, %dma_start3A_266, %dma_start3A_267] : memref<4x16x1024xf32, #tpu.memory_space<vmem>> -> memref<1x16x1024xf32, #tpu.memory_space<vmem>>
    %dma_start3A_269 = tpu.memref_squeeze %dma_start3A_268 : memref<1x16x1024xf32, #tpu.memory_space<vmem>> -> memref<16x1024xf32, #tpu.memory_space<vmem>>
    %dma_start3A_270 = arith.constant 0 : i32
    %dma_start3A_271 = tpu.memref_slice %arg4[%select_n3A, %add3A_263, %dma_start3A_270] : memref<4x4096x1024xf32, #tpu.memory_space<hbm>> -> memref<1x16x1024xf32, #tpu.memory_space<hbm>>
    %dma_start3A_272 = tpu.memref_squeeze %dma_start3A_271 : memref<1x16x1024xf32, #tpu.memory_space<hbm>> -> memref<16x1024xf32, #tpu.memory_space<hbm>>
    %dma_start3A_273 = tpu.memref_slice %arg8[%dma_start3A_265] : memref<4x!tpu.dma_semaphore, #tpu.memory_space<semaphore_mem>> -> memref<1x!tpu.dma_semaphore, #tpu.memory_space<semaphore_mem>>
    %dma_start3A_274 = tpu.memref_squeeze %dma_start3A_273 : memref<1x!tpu.dma_semaphore, #tpu.memory_space<semaphore_mem>> -> memref<!tpu.dma_semaphore, #tpu.memory_space<semaphore_mem>>
    %dma_start3A_275 = arith.constant 0 : i32
    %dma_start3A_276 = tpu.memref_slice %arg4[%select_n3A, %add3A_263, %dma_start3A_275] : memref<4x4096x1024xf32, #tpu.memory_space<hbm>> -> memref<1x16x1024xf32, #tpu.memory_space<hbm>>
    %dma_start3A_277 = tpu.memref_squeeze %dma_start3A_276 : memref<1x16x1024xf32, #tpu.memory_space<hbm>> -> memref<16x1024xf32, #tpu.memory_space<hbm>>
    %dma_start3A_278 = arith.constant 0 : i32
    %dma_start3A_279 = arith.constant 0 : i32
    %dma_start3A_280 = tpu.memref_slice %arg6[%dma_start3A_264, %dma_start3A_278, %dma_start3A_279] : memref<4x16x1024xf32, #tpu.memory_space<vmem>> -> memref<1x16x1024xf32, #tpu.memory_space<vmem>>
    %dma_start3A_281 = tpu.memref_squeeze %dma_start3A_280 : memref<1x16x1024xf32, #tpu.memory_space<vmem>> -> memref<16x1024xf32, #tpu.memory_space<vmem>>
    tpu.enqueue_dma source(%dma_start3A_281 : memref<16x1024xf32, #tpu.memory_space<vmem>>) target(%dma_start3A_277 : memref<16x1024xf32, #tpu.memory_space<hbm>>) target_semaphore(%dma_start3A_274 : memref<!tpu.dma_semaphore, #tpu.memory_space<semaphore_mem>>)
    %dma_wait3A_282 = arith.constant 3 : i32
    %dma_wait3A_283 = arith.constant 3 : i32
    %dma_wait3A_284 = arith.constant 0 : i32
    %dma_wait3A_285 = arith.constant 0 : i32
    %dma_wait3A_286 = tpu.memref_slice %arg6[%dma_wait3A_282, %dma_wait3A_284, %dma_wait3A_285] : memref<4x16x1024xf32, #tpu.memory_space<vmem>> -> memref<1x16x1024xf32, #tpu.memory_space<vmem>>
    %dma_wait3A_287 = tpu.memref_squeeze %dma_wait3A_286 : memref<1x16x1024xf32, #tpu.memory_space<vmem>> -> memref<16x1024xf32, #tpu.memory_space<vmem>>
    %dma_wait3A_288 = arith.constant 0 : i32
    %dma_wait3A_289 = tpu.memref_slice %arg4[%select_n3A, %add3A_263, %dma_wait3A_288] : memref<4x4096x1024xf32, #tpu.memory_space<hbm>> -> memref<1x16x1024xf32, #tpu.memory_space<hbm>>
    %dma_wait3A_290 = tpu.memref_squeeze %dma_wait3A_289 : memref<1x16x1024xf32, #tpu.memory_space<hbm>> -> memref<16x1024xf32, #tpu.memory_space<hbm>>
    %dma_wait3A_291 = tpu.memref_slice %arg8[%dma_wait3A_283] : memref<4x!tpu.dma_semaphore, #tpu.memory_space<semaphore_mem>> -> memref<1x!tpu.dma_semaphore, #tpu.memory_space<semaphore_mem>>
    %dma_wait3A_292 = tpu.memref_squeeze %dma_wait3A_291 : memref<1x!tpu.dma_semaphore, #tpu.memory_space<semaphore_mem>> -> memref<!tpu.dma_semaphore, #tpu.memory_space<semaphore_mem>>
    %dma_wait3A_293 = arith.constant 0 : i32
    %dma_wait3A_294 = tpu.memref_slice %arg4[%select_n3A, %add3A_263, %dma_wait3A_293] : memref<4x4096x1024xf32, #tpu.memory_space<hbm>> -> memref<1x16x1024xf32, #tpu.memory_space<hbm>>
    %dma_wait3A_295 = tpu.memref_squeeze %dma_wait3A_294 : memref<1x16x1024xf32, #tpu.memory_space<hbm>> -> memref<16x1024xf32, #tpu.memory_space<hbm>>
    %dma_wait3A_296 = arith.constant 0 : i32
    %dma_wait3A_297 = arith.constant 0 : i32
    %dma_wait3A_298 = tpu.memref_slice %arg6[%dma_wait3A_282, %dma_wait3A_296, %dma_wait3A_297] : memref<4x16x1024xf32, #tpu.memory_space<vmem>> -> memref<1x16x1024xf32, #tpu.memory_space<vmem>>
    %dma_wait3A_299 = tpu.memref_squeeze %dma_wait3A_298 : memref<1x16x1024xf32, #tpu.memory_space<vmem>> -> memref<16x1024xf32, #tpu.memory_space<vmem>>
    tpu.wait_dma2 semaphore(%dma_wait3A_292 : memref<!tpu.dma_semaphore, #tpu.memory_space<semaphore_mem>>) src(%dma_wait3A_299 : memref<16x1024xf32, #tpu.memory_space<vmem>>) dst(%dma_wait3A_295 : memref<16x1024xf32, #tpu.memory_space<hbm>>)
    return
  }
}

</mosaic_0001>

<sc_bundles>
// kernel: kernel.3.cloned.1.call-start
scs
__scs_entry_jumppad:
0x0: {  	(pc) =	sbr.rel $0x88, $3  }
0x1: {  	(tag) =	ssettag $0x0;
	lr =	simm.s32 $0x1  }
0x2: {  	[smem:$0x3F9F] =	sst lr;
	_ =	strace $0xD0000000  }
0x3: {  	_ = 	snop  }
0x4: {  	_ = 	snop  }
0x5: {  	_ = 	snop  }
0x6: {  	_ = 	snop  }
0x7: {  	_ = 	snop  }
__scs_overlays_trampoline_lowered:
0x8: {  	[smem:$0x3FAE] =	sst s0  }
0x9: {  	[smem:$0x3FAF] =	sst s1  }
0xa: {  	[smem:$0x3FB0] =	sst s2  }
0xb: {  	[smem:$0x3FB1] =	sst s3  }
0xc: {  	[smem:$0x3FB2] =	sst s4  }
0xd: {  	[smem:$0x3FB3] =	sst s5  }
0xe: {  	[smem:$0x3FB4] =	sst s6  }
0xf: {  	[smem:$0x3FB5] =	sst s7  }
0x10: {  	[smem:$0x3FB6] =	sst s8  }
0x11: {  	[smem:$0x3FB7] =	sst s9;
	s0 =	simm.s32 @!p0 $0x0  }
0x12: {  	s1 =	sld [smem:$0x3F9D];
	s0 =	simm.s32 @p0 $0x1  }
0x13: {  	[smem:$0x3FB8] =	sst s0;
	s0 =	simm.s32 @!p1 $0x0  }
0x14: {  	s2 =	sld [smem:$0x3F9C];
	s0 =	simm.s32 @p1 $0x1  }
0x15: {  	[smem:$0x3FB9] =	sst s0;
	s0 =	simm.s32 @!p2 $0x0  }
0x16: {  	s3 =	sld [smem:$0x3FDB];
	s0 =	simm.s32 @p2 $0x1  }
0x17: {  	s4 =	simm.s32 $0x1BF5;
	[smem:$0x3FBB] =	sst s0  }
0x18: {  	s0 =	sld [smem:$0x3F9E];
	_ =	swait.ge [sflag:s4], $0x0  }
0x19: {  	s7 =	sld [smem:$0x3F9F]  }
0x1a: {  	s8 =	sadd.s32 $0xFFFFE003, lr  }
0x1b: {  	s9 =	sadd.s32 $0xFFFFFEF7, lr;
	s5 =	simm.s32 $0xFFFFFFFF;
	p2 =	slt.u32 s8, $0xFFFFF086  }
0x1c: {  	p1 =	slt.u32 s9, $0xF7A;
	s5 =	simm.s32 @!p2 $0x0  }
0x1d: {  	s5 =	simm.s32 @p1 $0x1;
	p0 =	seq.s32 s7, s2  }
0x1e: {  	s7 =	smul.u32 @!p0 $0xF7A, s2;
	p2 =	seq.s32 @!p0 s5, $0x0  }
0x1f: {  	s9 =	smul.u32 $0xF7A, s1;
	s8 =	simm.s32 @!p0 $0x1BF5;
	p2 =	por !p2, p0  }
0x20: {  	[sflag:s8] =	ssyncset.s32 @!p0 $0xFFFFF086;
	s6 =	sadd.s32 @!p0 s3, s7;
	s7 =	simm.s32 @!p0 $0x108  }
0x21: {  	s3 =	sadd.s32 s3, s9;
	s6 =	sadd.s32 @!p0 $0x88, s6;
	s7 =	simm.s32 @p2 $0x1082  }
0x22: {  	[simem:s7], [sflag:s8] =	dma.local @!p0 [hbm:s6], $0xF7A  }
0x23: {  	s9 =	sor.u32 $0xD0000000, s2;
	s6 =	simm.s32 $0x108;
	_ =	swait.ge @!p0 [sflag:s8], $0x0  }
0x24: {  	s3 =	sadd.s32 $0x88, s3;
	s6 =	simm.s32 @!p1 $0x1082;
	[sflag:s4] =	ssyncset.s32 $0xFFFFF086  }
0x25: {  	[simem:s6], [sflag:s4] =	dma.local [hbm:s3], $0xF7A  }
0x26: {  	[smem:$0x3F9F] =	sst s1;
	(tag) =	ssettag s2;
	_ =	strace s9  }
0x27: {  	s1 =	sld [smem:$0x3FAF]  }
0x28: {  	s2 =	sld [smem:$0x3FB0]  }
0x29: {  	s4 =	sld [smem:$0x3FB2]  }
0x2a: {  	p0 =	seq.s32 s5, $0x0;
	s5 =	sld [smem:$0x3FB3]  }
0x2b: {  	s6 =	sld [smem:$0x3FB4]  }
0x2c: {  	s7 =	sld [smem:$0x3FB5]  }
0x2d: {  	s3 =	simm.s32 $0x108;
	s8 =	sld [smem:$0x3FB6]  }
0x2e: {  	s3 =	simm.s32 @!p0 $0x1082;
	s9 =	sld [smem:$0x3FB7]  }
0x2f: {  	lr =	sadd.s32 s0, s3;
	s0 =	sld [smem:$0x3FAE]  }
0x30: {  	s3 =	sld [smem:$0x3FB1]  }
0x31: {  	[smem:$0x3FBA] =	sst s10  }
0x32: {  	s10 =	sld [smem:$0x3FB8];
	_ =	sdelay $0x3  }
0x33: {  	p0 =	seq.s32 s10, $0x1;
	s10 =	sld [smem:$0x3FBA];
	_ =	sdelay $0x3  }
0x34: {  	[smem:$0x3FBA] =	sst s10  }
0x35: {  	s10 =	sld [smem:$0x3FB9];
	_ =	sdelay $0x3  }
0x36: {  	p1 =	seq.s32 s10, $0x1;
	s10 =	sld [smem:$0x3FBA];
	_ =	sdelay $0x3  }
0x37: {  	[smem:$0x3FBA] =	sst s10  }
0x38: {  	s10 =	sld [smem:$0x3FBB]  }
0x39: {  	_ = 	snop;
	(pc) =	sbr.ind lr, $3  }
0x3a: {  	_ = 	snop  }
0x3b: {  	_ = 	snop  }
0x3c: {  	p2 =	seq.s32 s10, $0x1;
	s10 =	sld [smem:$0x3FBA]  }
0x3d: {  	_ =	shalt  }
0x3e: {  	_ =	shalt  }
0x3f: {  	_ =	shalt  }
0x40: {  	_ =	shalt  }
0x41: {  	_ =	shalt  }
0x42: {  	_ =	shalt  }
0x43: {  	_ =	shalt  }
0x44: {  	_ =	shalt  }
0x45: {  	_ =	shalt  }
0x46: {  	_ =	shalt  }
0x47: {  	_ =	shalt  }
0x48: {  	_ =	shalt  }
0x49: {  	_ =	shalt  }
0x4a: {  	_ =	shalt  }
0x4b: {  	_ =	shalt  }
0x4c: {  	_ =	shalt  }
0x4d: {  	_ =	shalt  }
0x4e: {  	_ =	shalt  }
0x4f: {  	_ =	shalt  }
0x50: {  	_ =	shalt  }
0x51: {  	_ =	shalt  }
0x52: {  	_ =	shalt  }
0x53: {  	_ =	shalt  }
0x54: {  	_ =	shalt  }
0x55: {  	_ =	shalt  }
0x56: {  	_ =	shalt  }
0x57: {  	_ =	shalt  }
0x58: {  	_ =	shalt  }
0x59: {  	_ =	shalt  }
0x5a: {  	_ =	shalt  }
0x5b: {  	_ =	shalt  }
0x5c: {  	_ =	shalt  }
0x5d: {  	_ =	shalt  }
0x5e: {  	_ =	shalt  }
0x5f: {  	_ =	shalt  }
0x60: {  	_ =	shalt  }
0x61: {  	_ =	shalt  }
0x62: {  	_ =	shalt  }
0x63: {  	_ =	shalt  }
0x64: {  	_ =	shalt  }
0x65: {  	_ =	shalt  }
0x66: {  	_ =	shalt  }
0x67: {  	_ =	shalt  }
0x68: {  	_ =	shalt  }
0x69: {  	_ =	shalt  }
0x6a: {  	_ =	shalt  }
0x6b: {  	_ =	shalt  }
0x6c: {  	_ =	shalt  }
0x6d: {  	_ =	shalt  }
0x6e: {  	_ =	shalt  }
0x6f: {  	_ =	shalt  }
0x70: {  	_ =	shalt  }
0x71: {  	_ =	shalt  }
0x72: {  	_ =	shalt  }
0x73: {  	_ =	shalt  }
0x74: {  	_ =	shalt  }
0x75: {  	_ =	shalt  }
0x76: {  	_ =	shalt  }
0x77: {  	_ =	shalt  }
0x78: {  	_ =	shalt  }
0x79: {  	_ =	shalt  }
0x7a: {  	_ =	shalt  }
0x7b: {  	_ =	shalt  }
0x7c: {  	_ =	shalt  }
0x7d: {  	_ =	shalt  }
0x7e: {  	_ =	shalt  }
0x7f: {  	_ =	shalt  }
0x80: {  	_ =	shalt  }
0x81: {  	_ =	shalt  }
0x82: {  	_ =	shalt  }
0x83: {  	_ =	shalt  }
0x84: {  	_ =	shalt  }
0x85: {  	_ =	shalt  }
0x86: {  	_ =	shalt  }
0x87: {  	_ =	shalt  }
.Lfunc_end0:
.L_simem_size_0:
called_computation_lowered:
.L_overlay_start_0:
0x88: {  	s2 =	sld [smem:$0x3FD9]  }
0x89: {  	s3 =	sld [smem:$0x3FFE];
	_ =	sdelay $0x1  }
0x8a: {  	s1 =	srdreg.scid  }
0x8b: {  	s0 =	sand.u32 $0x1, s1  }
0x8c: {  	s18 =	sshll.u32 s0, $0xA;
	s2 =	sadd.s32 s3, s2  }
0x8d: {  	s2 =	sadd.s32 s2, s18  }
0x8e: {  	[smem:$0x3FC6] =	sst s2  }
0x8f: {  	_ = 	snop  }
0x90: {  	s2 =	sld [smem:$0x3FC9]  }
0x91: {  	s19 =	sld [smem:$0x3FC8]  }
0x92: {  	s4 =	sld [smem:$0x3FD0];
	(tm) =	ssettm $0x1  }
0x93: {  	s5 =	sld [smem:$0x3FFB];
	_ =	sdelay $0x3  }
0x94: {  	_ =	strace s5  }
0x95: {  	s5 =	sld [smem:$0x3FFC];
	_ =	sdelay $0x3  }
0x96: {  	_ =	strace s5  }
0x97: {  	s5 =	sld [smem:$0x3FFD];
	_ =	sdelay $0x3  }
0x98: {  	_ =	strace s5  }
0x99: {  	_ =	strace $0x8FFFFFFF  }
0x9a: {  	s20 =	sld [smem:$0x3FDB];
	_ =	sdelay $0x1  }
0x9b: {  	s6 =	simm.s32 $_scs_section_size  }
0x9c: {  	s7 =	simm.s32 $_size__tile_overlayer_lowered;
	s8 =	simm.s32 $_tile_overlayer_lowered  }
0x9d: {  	s23 =	simm.s32 $0x1BFF;
	s22 =	sshll.u32 s8, $0x1;
	s5 =	sadd.s32 s6, s20  }
0x9e: {  	s9 =	simm.s32 $0x0;
	s21 =	sshll.u32 s7, $0x1;
	s7 =	sadd.s32 s22, s5  }
0x9f: {  	[timem:s9], [sflag:s23] =	dma.local [hbm:s7], s21  }
0xa0: {  	_ =	swait.ge [sflag:s23], s21  }
0xa1: {  	s6 =	ssub.s32 $0x0, s21;
	[sflag:s23] =	ssyncset.done $0x0  }
0xa2: {  	[sflag:s23] =	ssyncadd.s32 s6;
	_ =	sdelay $0x1  }
0xa3: {  	s24 =	simm.s32 $0x1B8B  }
0xa4: {  	_ =	swait.ge [sflag:s24], $0x1  }
0xa5: {  	[sflag:s24] =	ssyncset.done $0x0  }
0xa6: {  	s25 =	simm.s32 $0x1B8E;
	[sflag:s24] =	ssyncadd.s32 $0xFFFFFFFF  }
0xa7: {  	s26 =	simm.s32 $execute0_lowered;
	[smem:$0x3FD2] =	sst s25  }
0xa8: {  	s6 =	sshll.u32 s26, $0x1;
	_ =	strace $0x80000046;
	[dreg:$0x1] =	wrdreg $0xFFFFFFFF  }
0xa9: {  	s28 =	simm.s32 $_size_execute0_lowered;
	s5 =	sadd.s32 s5, s6;
	[dreg:$0x0] =	wrdreg $0x0  }
0xaa: {  	s6 =	sshll.u32 s28, $0x1;
	[dreg:$0x2] =	wrdreg s5  }
0xab: {  	[dreg:$0x3] =	wrdreg s6  }
0xac: {  	[dreg:$0x4] =	wrdreg $0xC0  }
0xad: {  	_ =	task [dreg:s9], $0x5FFFF  }
0xae: {  	[dreg:$0x1] =	wrdreg $0xFFFFFFFF  }
0xaf: {  	[dreg:$0x0] =	wrdreg $0x60  }
0xb0: {  	[dreg:$0x2] =	wrdreg s2  }
0xb1: {  	[dreg:$0x3] =	wrdreg s19  }
0xb2: {  	[dreg:$0x4] =	wrdreg s4  }
0xb3: {  	[dreg:$0x5] =	wrdreg $0x9  }
0xb4: {  	_ =	task.clear_ibuf [dreg:s9], $0x6FFFF;
	_ =	strace $0x90000046  }
0xb5: {  	s29 =	simm.s32 $0x9;
	_ =	strace $0x80000048  }
0xb6: {  	_ =	swait.ge [sflag:s29], $0x1  }
0xb7: {  	[sflag:s29] =	ssyncadd.s32 $0xFFFFFFFF  }
0xb8: {  	_ =	strace $0x90000048  }
0xb9: {  	_ =	sfence  }
0xba: {  	s30 =	sld [smem:$0x0];
	_ =	sdelay $0x2  }
0xbb: {  	s31 =	sshll.u32 s1, $0xD;
	s1 =	sshrl.u32 s1, $0x2  }
0xbc: {  	s3 =	sand.u32 $0x4000, s31;
	s1 =	sadd.s32 s1, s30  }
0xbd: {  	s0 =	sor.u32 s3, s0;
	s1 =	sshll.u32 s1, $0x11  }
0xbe: {  	s0 =	sor.u32 s1, s0  }
0xbf: {  	s0 =	sadd.s32 $0x8F2B, s0  }
0xc0: {  	[sflag:s0] =	ssyncadd.remote.s32 $0x1  }
0xc1: {  	_ =	sfence.sel $0xFFFF  }
0xc2: {  	[dreg:$0x0] =	wrdreg $0xFFFFFFFF;
	(pc) =	sbr.abs _section_cstart, $3  }
0xc3: {  	[dreg:$0x1] =	wrdreg $0xFFFFFFFF  }
0xc4: {  	_ =	task.clear_ibuf [dreg:s9], $0x2FFFF;
	_ =	strace $0x9FFFFFFF  }
0xc5: {  	(tm) =	ssettm $0x7FFFFFFF  }
tec
execute0_lowered:
.L_overlay_start_1:
0x0: {  	(tag) =	ssettag $0x1  }
0x1: {  	s0 =	rddreg [dreg:$0x0]  }
0x2: {  	s1 =	rddreg [dreg:$0x1]  }
0x3: {  	s2 =	rddreg [dreg:$0x2];
	s3 =	simm.s32 $0x0;
	s11 =	stileid.u32  }
0x4: {  	s4 =	srdreg.scid;
	s28 =	simm.s32 $0x3;
	s29 =	simm.s32 $0x7  }
0x5: {  	s30 =	simm.s32 $0x4;
	s31 =	simm.s32 $0x8;
	[smem:$0x7FF] =	sst s3  }
0x6: {  	s5 =	sshll.u32 s11, $0x1;
	s4 =	sand.u32 $0x1, s4;
	s6 =	sshrl.u32 s11, $0x2  }
0x7: {  	s15 =	sand.u32 $0x3, s11;
	s11 =	simm.s32 $0x2200;
	_ =	strace $0x80000047  }
0x8: {  	s5 =	sand.u32 $0x6, s5;
	s7 =	ssub.s32 $0x2, s4;
	s12 =	sshll.u32 s6, $0x4  }
0x9: {  	s13 =	sshll.u32 s6, $0x16;
	s6 =	sadd.s32 $0x200, s1;
	s8 =	sor.u32 s4, s5  }
0xa: {  	s9 =	sshrl.u32 s7, $0x1;
	s0 =	sadd.s32 s0, s12;
	s5 =	sadd.s32 $0x100, s1  }
0xb: {  	s4 =	sshll.u32 s4, $0x13;
	s12 =	simm.s32 $0xC200;
	s10 =	sshll.u32 s8, $0x8  }
0xc: {  	s9 =	ssub.s32 s7, s9;
	s14 =	sshll.u32 s8, $0x13;
	s8 =	sshll.u32 s15, $0x14  }
0xd: {  	s15 =	simm.s32 $0x3200;
	s0 =	sadd.s32 s10, s0;
	s7 =	sor.u32 s13, s14  }
0xe: {  	s26 =	smax.u32 s9, $0x1;
	s9 =	simm.s32 $0x1200;
	s14 =	simm.s32 $0x6A00  }
0xf: {  	[dreg:$0x8] =	wrdreg s0;
	s16 =	sshrl.u32 s7, $0x3;
	s0 =	sor.u32 s8, s13  }
0x10: {  	s7 =	sadd.s32 $0x300, s1;
	[dreg:$0xd] =	wrdreg s26;
	s13 =	simm.s32 $0x2A00  }
0x11: {  	s26 =	simm.s32 $0x6;
	s17 =	sadd.s32 s16, s2;
	s0 =	sor.u32 s4, s0  }
0x12: {  	s16 =	simm.s32 $0x3A00;
	s18 =	sadd.s32 $0xE000, s17;
	s19 =	sadd.s32 $0xE800, s17  }
0x13: {  	s20 =	sor.u32 $0xC000, s0;
	s10 =	sadd.s32 $0xF000, s17;
	s21 =	sor.u32 $0x8000, s0  }
0x14: {  	s22 =	sor.u32 $0x4000, s0;
	s0 =	sshrl.u32 s0, $0x3;
	[dreg:$0x9] =	wrdreg s18  }
0x15: {  	s8 =	sadd.s32 $0xF800, s17;
	s17 =	simm.s32 $0x4A00;
	[dreg:$0xa] =	wrdreg s19  }
0x16: {  	[dreg:$0xb] =	wrdreg s10;
	s4 =	sshrl.u32 s20, $0x3;
	s10 =	sshrl.u32 s21, $0x3  }
0x17: {  	s24 =	sshrl.u32 s22, $0x3;
	[dreg:$0xc] =	wrdreg s8;
	s0 =	sadd.s32 s0, s2  }
0x18: {  	s18 =	simm.s32 $0x5200;
	s19 =	simm.s32 $0x5A00;
	s20 =	simm.s32 $0x6200  }
0x19: {  	s8 =	simm.s32 $0x8200;
	s4 =	sadd.s32 s4, s2;
	[dreg:$0x7] =	wrdreg s0  }
0x1a: {  	s22 =	simm.s32 $0x1;
	s23 =	sadd.s32 s10, s2;
	[dreg:$0x4] =	wrdreg s4  }
0x1b: {  	v2 =	vlaneseq.u32;
	s25 =	sadd.s32 s24, s2;
	s10 =	simm.s32 $0x1A00;
	[dreg:$0x5] =	wrdreg s23  }
0x1c: {  	vm0 =	vmmov $0xffff;
	v1 =	vshrl.u32 v2, $0x3;
	s0 =	simm.s32 $0x4200;
	s24 =	simm.s32 $0x5;
	[dreg:$0x6] =	wrdreg s25  }
0x1d: {  	v0 =	vand.u32 $0x7, v2;
	v2 =	vor.u32 $0x8, v2;
	v1 =	vmul.u32 $0x8, v1;
	s23 =	simm.s32 $0xA00;
	s25 =	simm.s32 $0x2;
	s4 =	simm.s32 $0x0  }
.LBB2_1:
0x1e: {  	[dreg:$0xe] =	wrdreg s4  }
0x1f: {  	s2 =	rddreg [dreg:$0x8];
	s4 =	simm.s32 $0x80;
	s21 =	simm.s32 $0x200  }
0x20: {  	[tilespmem:s3], [sflag:$0x9] =	stream.strided.gather [hbm4b:s2+s4], $0x200, s21, s4, $0x38;
	[tilespmem:$0x10200] =	vst v63  }
0x21: {  	s4 =	simm.s32 $0x9  }
0x22: {  	_ =	swait.ge [sflag:s4], $0x200  }
0x23: {  	[sflag:s4] =	ssyncset.done $0x0  }
0x24: {  	[sflag:s4] =	ssyncadd.s32 $0xFFFFFE00  }
0x25: {  	v3 =	vld [tilespmem:$0x0];
	_ =	sdelay $0x4  }
0x26: {  	v4 =	vshll.u32 v3, $0x3  }
0x27: {  	v3 =	vand.u32 $0x7, v3;
	v4 =	vand.u32 $0xFFFFFFC0, v4  }
0x28: {  	v3 =	vor.u32 v3, v4  }
0x29: {  	v4 =	vperm.xlane v3, v0;
	_ =	sdelay $0x1  }
0x2a: {  	v4 =	vadd.s32 v1, v4;
	_ =	sdelay $0x4  }
0x2b: {  	[tilespmem:s21], [sflag:$0x1] =	stream.indirect_vreg.gather [hbm4b:s1+s3], $0x80, v4, vm0, $0xb8;
	[tilespmem:$0x10200] =	vst v63  }
0x2c: {  	v3 =	vperm.xlane v3, v2  }
0x2d: {  	[tilespmem:s23], [sflag:$0x1] =	stream.indirect_vreg.gather [hbm4b:s5+s3], $0x80, v4, vm0, $0xb8;
	[tilespmem:$0x10200] =	vst v63  }
0x2e: {  	v3 =	vadd.s32 v1, v3  }
0x2f: {  	[tilespmem:s9], [sflag:$0x1] =	stream.indirect_vreg.gather [hbm4b:s6+s3], $0x80, v4, vm0, $0xb8;
	[tilespmem:$0x10200] =	vst v63  }
0x30: {  	_ = 	snop  }
0x31: {  	[tilespmem:s10], [sflag:$0x1] =	stream.indirect_vreg.gather [hbm4b:s7+s3], $0x80, v4, vm0, $0xb8;
	[tilespmem:$0x10200] =	vst v63  }
0x32: {  	_ = 	snop  }
0x33: {  	[tilespmem:s11], [sflag:$0x1] =	stream.indirect_vreg.gather [hbm4b:s1+s3], $0x80, v3, vm0, $0xb8;
	[tilespmem:$0x10200] =	vst v63  }
0x34: {  	_ = 	snop  }
0x35: {  	[tilespmem:s13], [sflag:$0x1] =	stream.indirect_vreg.gather [hbm4b:s5+s3], $0x80, v3, vm0, $0xb8;
	[tilespmem:$0x10200] =	vst v63  }
0x36: {  	_ = 	snop  }
0x37: {  	[tilespmem:s15], [sflag:$0x1] =	stream.indirect_vreg.gather [hbm4b:s6+s3], $0x80, v3, vm0, $0xb8;
	[tilespmem:$0x10200] =	vst v63  }
0x38: {  	_ = 	snop  }
0x39: {  	[tilespmem:s16], [sflag:$0x1] =	stream.indirect_vreg.gather [hbm4b:s7+s3], $0x80, v3, vm0, $0xb8;
	[tilespmem:$0x10200] =	vst v63  }
0x3a: {  	v3 =	vld [tilespmem:$0x10];
	_ =	sdelay $0x4  }
0x3b: {  	v61 =	vshll.u32 v3, $0x3  }
0x3c: {  	v3 =	vand.u32 $0x7, v3;
	v4 =	vand.u32 $0xFFFFFFC0, v61  }
0x3d: {  	v3 =	vor.u32 v3, v4  }
0x3e: {  	v4 =	vperm.xlane v3, v0;
	_ =	sdelay $0x1  }
0x3f: {  	v4 =	vadd.s32 v1, v4;
	_ =	sdelay $0x4  }
0x40: {  	[tilespmem:s0], [sflag:$0x2] =	stream.indirect_vreg.gather [hbm4b:s1+s3], $0x80, v4, vm0, $0xb8;
	[tilespmem:$0x10200] =	vst v63  }
0x41: {  	v3 =	vperm.xlane v3, v2  }
0x42: {  	[tilespmem:s17], [sflag:$0x2] =	stream.indirect_vreg.gather [hbm4b:s5+s3], $0x80, v4, vm0, $0xb8;
	[tilespmem:$0x10200] =	vst v63  }
0x43: {  	v3 =	vadd.s32 v1, v3  }
0x44: {  	[tilespmem:s18], [sflag:$0x2] =	stream.indirect_vreg.gather [hbm4b:s6+s3], $0x80, v4, vm0, $0xb8;
	[tilespmem:$0x10200] =	vst v63  }
0x45: {  	_ = 	snop  }
0x46: {  	[tilespmem:s19], [sflag:$0x2] =	stream.indirect_vreg.gather [hbm4b:s7+s3], $0x80, v4, vm0, $0xb8;
	[tilespmem:$0x10200] =	vst v63  }
0x47: {  	_ = 	snop  }
0x48: {  	[tilespmem:s20], [sflag:$0x2] =	stream.indirect_vreg.gather [hbm4b:s1+s3], $0x80, v3, vm0, $0xb8;
	[tilespmem:$0x10200] =	vst v63  }
0x49: {  	_ = 	snop  }
0x4a: {  	[tilespmem:s14], [sflag:$0x2] =	stream.indirect_vreg.gather [hbm4b:s5+s3], $0x80, v3, vm0, $0xb8;
	[tilespmem:$0x10200] =	vst v63  }
0x4b: {  	s4 =	simm.s32 $0x7200  }
0x4c: {  	[tilespmem:s4], [sflag:$0x2] =	stream.indirect_vreg.gather [hbm4b:s6+s3], $0x80, v3, vm0, $0xb8;
	[tilespmem:$0x10200] =	vst v63  }
0x4d: {  	s9 =	simm.s32 $0x7A00  }
0x4e: {  	[tilespmem:s9], [sflag:$0x2] =	stream.indirect_vreg.gather [hbm4b:s7+s3], $0x80, v3, vm0, $0xb8;
	[tilespmem:$0x10200] =	vst v63  }
0x4f: {  	v3 =	vld [tilespmem:$0x20];
	_ =	sdelay $0x4  }
0x50: {  	v62 =	vshll.u32 v3, $0x3  }
0x51: {  	v3 =	vand.u32 $0x7, v3;
	v4 =	vand.u32 $0xFFFFFFC0, v62  }
0x52: {  	v3 =	vor.u32 v3, v4  }
0x53: {  	v4 =	vperm.xlane v3, v0;
	_ =	sdelay $0x1  }
0x54: {  	v4 =	vadd.s32 v1, v4;
	_ =	sdelay $0x4  }
0x55: {  	[tilespmem:s8], [sflag:$0x3] =	stream.indirect_vreg.gather [hbm4b:s1+s3], $0x80, v4, vm0, $0xb8;
	[tilespmem:$0x10200] =	vst v63  }
0x56: {  	s10 =	simm.s32 $0x8A00;
	v3 =	vperm.xlane v3, v2  }
0x57: {  	[tilespmem:s10], [sflag:$0x3] =	stream.indirect_vreg.gather [hbm4b:s5+s3], $0x80, v4, vm0, $0xb8;
	[tilespmem:$0x10200] =	vst v63  }
0x58: {  	s11 =	simm.s32 $0x9200;
	v3 =	vadd.s32 v1, v3  }
0x59: {  	[tilespmem:s11], [sflag:$0x3] =	stream.indirect_vreg.gather [hbm4b:s6+s3], $0x80, v4, vm0, $0xb8;
	[tilespmem:$0x10200] =	vst v63  }
0x5a: {  	s13 =	simm.s32 $0x9A00  }
0x5b: {  	[tilespmem:s13], [sflag:$0x3] =	stream.indirect_vreg.gather [hbm4b:s7+s3], $0x80, v4, vm0, $0xb8;
	[tilespmem:$0x10200] =	vst v63  }
0x5c: {  	s14 =	simm.s32 $0xA200  }
0x5d: {  	[tilespmem:s14], [sflag:$0x3] =	stream.indirect_vreg.gather [hbm4b:s1+s3], $0x80, v3, vm0, $0xb8;
	[tilespmem:$0x10200] =	vst v63  }
0x5e: {  	s15 =	simm.s32 $0xAA00  }
0x5f: {  	[tilespmem:s15], [sflag:$0x3] =	stream.indirect_vreg.gather [hbm4b:s5+s3], $0x80, v3, vm0, $0xb8;
	[tilespmem:$0x10200] =	vst v63  }
0x60: {  	s16 =	simm.s32 $0xB200  }
0x61: {  	[tilespmem:s16], [sflag:$0x3] =	stream.indirect_vreg.gather [hbm4b:s6+s3], $0x80, v3, vm0, $0xb8;
	[tilespmem:$0x10200] =	vst v63  }
0x62: {  	s17 =	simm.s32 $0xBA00  }
0x63: {  	[tilespmem:s17], [sflag:$0x3] =	stream.indirect_vreg.gather [hbm4b:s7+s3], $0x80, v3, vm0, $0xb8;
	[tilespmem:$0x10200] =	vst v63  }
0x64: {  	v3 =	vld [tilespmem:$0x30];
	_ =	sdelay $0x4  }
0x65: {  	v63 =	vshll.u32 v3, $0x3  }
0x66: {  	v3 =	vand.u32 $0x7, v3;
	v4 =	vand.u32 $0xFFFFFFC0, v63  }
0x67: {  	v3 =	vor.u32 v3, v4  }
0x68: {  	v4 =	vperm.xlane v3, v0;
	_ =	sdelay $0x1  }
0x69: {  	v4 =	vadd.s32 v1, v4;
	_ =	sdelay $0x4  }
0x6a: {  	[tilespmem:s12], [sflag:$0x4] =	stream.indirect_vreg.gather [hbm4b:s1+s3], $0x80, v4, vm0, $0xb8;
	[tilespmem:$0x10200] =	vst v63  }
0x6b: {  	s18 =	simm.s32 $0xCA00;
	v3 =	vperm.xlane v3, v2  }
0x6c: {  	[tilespmem:s18], [sflag:$0x4] =	stream.indirect_vreg.gather [hbm4b:s5+s3], $0x80, v4, vm0, $0xb8;
	[tilespmem:$0x10200] =	vst v63  }
0x6d: {  	s19 =	simm.s32 $0xD200;
	v3 =	vadd.s32 v1, v3  }
0x6e: {  	[tilespmem:s19], [sflag:$0x4] =	stream.indirect_vreg.gather [hbm4b:s6+s3], $0x80, v4, vm0, $0xb8;
	[tilespmem:$0x10200] =	vst v63  }
0x6f: {  	s2 =	simm.s32 $0x70;
	s21 =	simm.s32 $0xE200;
	s20 =	simm.s32 $0xDA00  }
0x70: {  	[tilespmem:s20], [sflag:$0x4] =	stream.indirect_vreg.gather [hbm4b:s7+s3], $0x80, v4, vm0, $0xb8;
	[tilespmem:$0x10200] =	vst v63  }
0x71: {  	s23 =	simm.s32 $0xEA00;
	s10 =	simm.s32 $0xF200;
	s11 =	simm.s32 $0xFA00  }
0x72: {  	[tilespmem:s21], [sflag:$0x4] =	stream.indirect_vreg.gather [hbm4b:s1+s3], $0x80, v3, vm0, $0xb8;
	[tilespmem:$0x10200] =	vst v63  }
0x73: {  	s13 =	simm.s32 $0x0;
	s14 =	simm.s32 $0x6A00;
	s15 =	simm.s32 $0x2A00  }
0x74: {  	[tilespmem:s23], [sflag:$0x4] =	stream.indirect_vreg.gather [hbm4b:s5+s3], $0x80, v3, vm0, $0xb8;
	[tilespmem:$0x10200] =	vst v63  }
0x75: {  	s16 =	simm.s32 $0x3200;
	s17 =	simm.s32 $0x3A00;
	s18 =	simm.s32 $0x4A00  }
0x76: {  	[tilespmem:s10], [sflag:$0x4] =	stream.indirect_vreg.gather [hbm4b:s6+s3], $0x80, v3, vm0, $0xb8;
	[tilespmem:$0x10200] =	vst v63  }
0x77: {  	s19 =	simm.s32 $0x5200;
	s20 =	simm.s32 $0x5A00;
	s21 =	simm.s32 $0x6200  }
0x78: {  	[tilespmem:s11], [sflag:$0x4] =	stream.indirect_vreg.gather [hbm4b:s7+s3], $0x80, v3, vm0, $0xb8;
	[tilespmem:$0x10200] =	vst v63  }
.LBB2_2:
0x79: {  	_ =	swait.ge [sflag:s22], $0x4000  }
0x7a: {  	s4 =	rddreg [dreg:$0x7];
	[sflag:s22] =	ssyncset.done $0x0  }
0x7b: {  	s0 =	simm.s32 $0x200;
	[sflag:s22] =	ssyncadd.s32 $0xFFFFC000;
	s4 =	sadd.s32 s13, s4  }
0x7c: {  	[hbm4b:s4+s3] =	stream.linear.scatter [tilespmem:s0], [sflag:$0x5], $0x4000, $0x38;
	[tilespmem:$0x10200] =	vst v63  }
0x7d: {  	_ =	swait.ge [sflag:s24], $0x4000  }
0x7e: {  	[sflag:s24] =	ssyncset.done $0x0  }
0x7f: {  	[sflag:s24] =	ssyncadd.s32 $0xFFFFC000  }
0x80: {  	v3 =	vld [tilespmem:s2+$0xFFFFFFD0];
	_ =	sdelay $0x4  }
0x81: {  	v4 =	vshll.u32 v3, $0x3  }
0x82: {  	v3 =	vand.u32 $0x7, v3;
	v4 =	vand.u32 $0xFFFFFFC0, v4  }
0x83: {  	v3 =	vor.u32 v3, v4  }
0x84: {  	v4 =	vperm.xlane v3, v0;
	_ =	sdelay $0x1  }
0x85: {  	v4 =	vadd.s32 v1, v4;
	_ =	sdelay $0x4  }
0x86: {  	[tilespmem:s0], [sflag:$0x1] =	stream.indirect_vreg.gather [hbm4b:s1+s3], $0x80, v4, vm0, $0xb8;
	[tilespmem:$0x10200] =	vst v63  }
0x87: {  	s9 =	simm.s32 $0xA00;
	v3 =	vperm.xlane v3, v2  }
0x88: {  	[tilespmem:s9], [sflag:$0x1] =	stream.indirect_vreg.gather [hbm4b:s5+s3], $0x80, v4, vm0, $0xb8;
	[tilespmem:$0x10200] =	vst v63  }
0x89: {  	s4 =	simm.s32 $0x1200;
	v3 =	vadd.s32 v1, v3  }
0x8a: {  	[tilespmem:s4], [sflag:$0x1] =	stream.indirect_vreg.gather [hbm4b:s6+s3], $0x80, v4, vm0, $0xb8;
	[tilespmem:$0x10200] =	vst v63  }
0x8b: {  	s8 =	simm.s32 $0x1A00  }
0x8c: {  	[tilespmem:s8], [sflag:$0x1] =	stream.indirect_vreg.gather [hbm4b:s7+s3], $0x80, v4, vm0, $0xb8;
	[tilespmem:$0x10200] =	vst v63  }
0x8d: {  	s9 =	simm.s32 $0x2200  }
0x8e: {  	[tilespmem:s9], [sflag:$0x1] =	stream.indirect_vreg.gather [hbm4b:s1+s3], $0x80, v3, vm0, $0xb8;
	[tilespmem:$0x10200] =	vst v63  }
0x8f: {  	_ = 	snop  }
0x90: {  	[tilespmem:s15], [sflag:$0x1] =	stream.indirect_vreg.gather [hbm4b:s5+s3], $0x80, v3, vm0, $0xb8;
	[tilespmem:$0x10200] =	vst v63  }
0x91: {  	_ = 	snop  }
0x92: {  	[tilespmem:s16], [sflag:$0x1] =	stream.indirect_vreg.gather [hbm4b:s6+s3], $0x80, v3, vm0, $0xb8;
	[tilespmem:$0x10200] =	vst v63  }
0x93: {  	_ = 	snop  }
0x94: {  	[tilespmem:s17], [sflag:$0x1] =	stream.indirect_vreg.gather [hbm4b:s7+s3], $0x80, v3, vm0, $0xb8;
	[tilespmem:$0x10200] =	vst v63  }
0x95: {  	_ =	swait.ge [sflag:s25], $0x4000  }
0x96: {  	s0 =	rddreg [dreg:$0x6];
	[sflag:s25] =	ssyncset.done $0x0  }
0x97: {  	s8 =	simm.s32 $0x4200;
	[sflag:s25] =	ssyncadd.s32 $0xFFFFC000;
	s4 =	sadd.s32 s13, s0  }
0x98: {  	[hbm4b:s4+s3] =	stream.linear.scatter [tilespmem:s8], [sflag:$0x6], $0x4000, $0x38;
	[tilespmem:$0x10200] =	vst v63  }
0x99: {  	_ =	swait.ge [sflag:s26], $0x4000  }
0x9a: {  	[sflag:s26] =	ssyncset.done $0x0  }
0x9b: {  	[sflag:s26] =	ssyncadd.s32 $0xFFFFC000  }
0x9c: {  	v3 =	vld [tilespmem:s2+$0xFFFFFFE0];
	_ =	sdelay $0x4  }
0x9d: {  	v61 =	vshll.u32 v3, $0x3  }
0x9e: {  	v3 =	vand.u32 $0x7, v3;
	v4 =	vand.u32 $0xFFFFFFC0, v61  }
0x9f: {  	v3 =	vor.u32 v3, v4  }
0xa0: {  	v4 =	vperm.xlane v3, v0;
	_ =	sdelay $0x1  }
0xa1: {  	v4 =	vadd.s32 v1, v4;
	_ =	sdelay $0x4  }
0xa2: {  	[tilespmem:s8], [sflag:$0x2] =	stream.indirect_vreg.gather [hbm4b:s1+s3], $0x80, v4, vm0, $0xb8;
	[tilespmem:$0x10200] =	vst v63  }
0xa3: {  	v3 =	vperm.xlane v3, v2  }
0xa4: {  	[tilespmem:s18], [sflag:$0x2] =	stream.indirect_vreg.gather [hbm4b:s5+s3], $0x80, v4, vm0, $0xb8;
	[tilespmem:$0x10200] =	vst v63  }
0xa5: {  	v3 =	vadd.s32 v1, v3  }
0xa6: {  	[tilespmem:s19], [sflag:$0x2] =	stream.indirect_vreg.gather [hbm4b:s6+s3], $0x80, v4, vm0, $0xb8;
	[tilespmem:$0x10200] =	vst v63  }
0xa7: {  	_ = 	snop  }
0xa8: {  	[tilespmem:s20], [sflag:$0x2] =	stream.indirect_vreg.gather [hbm4b:s7+s3], $0x80, v4, vm0, $0xb8;
	[tilespmem:$0x10200] =	vst v63  }
0xa9: {  	_ = 	snop  }
0xaa: {  	[tilespmem:s21], [sflag:$0x2] =	stream.indirect_vreg.gather [hbm4b:s1+s3], $0x80, v3, vm0, $0xb8;
	[tilespmem:$0x10200] =	vst v63  }
0xab: {  	_ = 	snop  }
0xac: {  	[tilespmem:s14], [sflag:$0x2] =	stream.indirect_vreg.gather [hbm4b:s5+s3], $0x80, v3, vm0, $0xb8;
	[tilespmem:$0x10200] =	vst v63  }
0xad: {  	s8 =	simm.s32 $0x7200  }
0xae: {  	[tilespmem:s8], [sflag:$0x2] =	stream.indirect_vreg.gather [hbm4b:s6+s3], $0x80, v3, vm0, $0xb8;
	[tilespmem:$0x10200] =	vst v63  }
0xaf: {  	s9 =	simm.s32 $0x7A00  }
0xb0: {  	[tilespmem:s9], [sflag:$0x2] =	stream.indirect_vreg.gather [hbm4b:s7+s3], $0x80, v3, vm0, $0xb8;
	[tilespmem:$0x10200] =	vst v63  }
0xb1: {  	_ =	swait.ge [sflag:s28], $0x4000  }
0xb2: {  	s8 =	rddreg [dreg:$0x5];
	[sflag:s28] =	ssyncset.done $0x0  }
0xb3: {  	s9 =	simm.s32 $0x8200;
	[sflag:s28] =	ssyncadd.s32 $0xFFFFC000;
	s4 =	sadd.s32 s13, s8  }
0xb4: {  	[hbm4b:s4+s3] =	stream.linear.scatter [tilespmem:s9], [sflag:$0x7], $0x4000, $0x38;
	[tilespmem:$0x10200] =	vst v63  }
0xb5: {  	_ =	swait.ge [sflag:s29], $0x4000  }
0xb6: {  	[sflag:s29] =	ssyncset.done $0x0  }
0xb7: {  	[sflag:s29] =	ssyncadd.s32 $0xFFFFC000  }
0xb8: {  	v3 =	vld [tilespmem:s2+$0xFFFFFFF0];
	_ =	sdelay $0x4  }
0xb9: {  	v62 =	vshll.u32 v3, $0x3  }
0xba: {  	v3 =	vand.u32 $0x7, v3;
	v4 =	vand.u32 $0xFFFFFFC0, v62  }
0xbb: {  	v3 =	vor.u32 v3, v4  }
0xbc: {  	v4 =	vperm.xlane v3, v0;
	_ =	sdelay $0x1  }
0xbd: {  	v4 =	vadd.s32 v1, v4;
	_ =	sdelay $0x4  }
0xbe: {  	[tilespmem:s9], [sflag:$0x3] =	stream.indirect_vreg.gather [hbm4b:s1+s3], $0x80, v4, vm0, $0xb8;
	[tilespmem:$0x10200] =	vst v63  }
0xbf: {  	v3 =	vperm.xlane v3, v2;
	s9 =	simm.s32 $0x8A00  }
0xc0: {  	[tilespmem:s9], [sflag:$0x3] =	stream.indirect_vreg.gather [hbm4b:s5+s3], $0x80, v4, vm0, $0xb8;
	[tilespmem:$0x10200] =	vst v63  }
0xc1: {  	v3 =	vadd.s32 v1, v3;
	s9 =	simm.s32 $0x9200  }
0xc2: {  	[tilespmem:s9], [sflag:$0x3] =	stream.indirect_vreg.gather [hbm4b:s6+s3], $0x80, v4, vm0, $0xb8;
	[tilespmem:$0x10200] =	vst v63  }
0xc3: {  	s9 =	simm.s32 $0x9A00  }
0xc4: {  	[tilespmem:s9], [sflag:$0x3] =	stream.indirect_vreg.gather [hbm4b:s7+s3], $0x80, v4, vm0, $0xb8;
	[tilespmem:$0x10200] =	vst v63  }
0xc5: {  	s9 =	simm.s32 $0xA200  }
0xc6: {  	[tilespmem:s9], [sflag:$0x3] =	stream.indirect_vreg.gather [hbm4b:s1+s3], $0x80, v3, vm0, $0xb8;
	[tilespmem:$0x10200] =	vst v63  }
0xc7: {  	s9 =	simm.s32 $0xAA00  }
0xc8: {  	[tilespmem:s9], [sflag:$0x3] =	stream.indirect_vreg.gather [hbm4b:s5+s3], $0x80, v3, vm0, $0xb8;
	[tilespmem:$0x10200] =	vst v63  }
0xc9: {  	s9 =	simm.s32 $0xB200  }
0xca: {  	[tilespmem:s9], [sflag:$0x3] =	stream.indirect_vreg.gather [hbm4b:s6+s3], $0x80, v3, vm0, $0xb8;
	[tilespmem:$0x10200] =	vst v63  }
0xcb: {  	s9 =	simm.s32 $0xBA00  }
0xcc: {  	[tilespmem:s9], [sflag:$0x3] =	stream.indirect_vreg.gather [hbm4b:s7+s3], $0x80, v3, vm0, $0xb8;
	[tilespmem:$0x10200] =	vst v63  }
0xcd: {  	_ =	swait.ge [sflag:s30], $0x4000  }
0xce: {  	s9 =	rddreg [dreg:$0x4];
	[sflag:s30] =	ssyncset.done $0x0  }
0xcf: {  	[sflag:s30] =	ssyncadd.s32 $0xFFFFC000;
	s4 =	sadd.s32 s13, s9  }
0xd0: {  	[hbm4b:s4+s3] =	stream.linear.scatter [tilespmem:s12], [sflag:$0x8], $0x4000, $0x38;
	[tilespmem:$0x10200] =	vst v63  }
0xd1: {  	_ =	swait.ge [sflag:s31], $0x4000  }
0xd2: {  	[sflag:s31] =	ssyncset.done $0x0  }
0xd3: {  	[sflag:s31] =	ssyncadd.s32 $0xFFFFC000  }
0xd4: {  	v3 =	vld [tilespmem:s2+$0x0];
	_ =	sdelay $0x4  }
0xd5: {  	v63 =	vshll.u32 v3, $0x3  }
0xd6: {  	v3 =	vand.u32 $0x7, v3;
	v4 =	vand.u32 $0xFFFFFFC0, v63  }
0xd7: {  	v3 =	vor.u32 v3, v4  }
0xd8: {  	v4 =	vperm.xlane v3, v0;
	_ =	sdelay $0x1  }
0xd9: {  	v4 =	vadd.s32 v1, v4;
	_ =	sdelay $0x4  }
0xda: {  	[tilespmem:s12], [sflag:$0x4] =	stream.indirect_vreg.gather [hbm4b:s1+s3], $0x80, v4, vm0, $0xb8;
	[tilespmem:$0x10200] =	vst v63  }
0xdb: {  	s9 =	simm.s32 $0xCA00;
	v3 =	vperm.xlane v3, v2  }
0xdc: {  	[tilespmem:s9], [sflag:$0x4] =	stream.indirect_vreg.gather [hbm4b:s5+s3], $0x80, v4, vm0, $0xb8;
	[tilespmem:$0x10200] =	vst v63  }
0xdd: {  	v3 =	vadd.s32 v1, v3;
	s9 =	simm.s32 $0xD200  }
0xde: {  	[tilespmem:s9], [sflag:$0x4] =	stream.indirect_vreg.gather [hbm4b:s6+s3], $0x80, v4, vm0, $0xb8;
	[tilespmem:$0x10200] =	vst v63  }
0xdf: {  	s9 =	simm.s32 $0xDA00  }
0xe0: {  	[tilespmem:s9], [sflag:$0x4] =	stream.indirect_vreg.gather [hbm4b:s7+s3], $0x80, v4, vm0, $0xb8;
	[tilespmem:$0x10200] =	vst v63  }
0xe1: {  	s9 =	simm.s32 $0xE200  }
0xe2: {  	[tilespmem:s9], [sflag:$0x4] =	stream.indirect_vreg.gather [hbm4b:s1+s3], $0x80, v3, vm0, $0xb8;
	[tilespmem:$0x10200] =	vst v63  }
0xe3: {  	p0 =	sne.s32 s13, $0xC000;
	s9 =	simm.s32 $0xEA00  }
0xe4: {  	[tilespmem:s9], [sflag:$0x4] =	stream.indirect_vreg.gather [hbm4b:s5+s3], $0x80, v3, vm0, $0xb8;
	[tilespmem:$0x10200] =	vst v63  }
.Ltmp0:
0xe5: {  	_ = 	snop;
	(pc) =	sbr.rel @p0 .LBB2_2-.Ltmp0, $4  }
0xe6: {  	s23 =	simm.s32 $0x200;
	s0 =	simm.s32 $0x4200  }
0xe7: {  	[tilespmem:s10], [sflag:$0x4] =	stream.indirect_vreg.gather [hbm4b:s6+s3], $0x80, v3, vm0, $0xb8;
	[tilespmem:$0x10200] =	vst v63  }
0xe8: {  	s8 =	simm.s32 $0x8200;
	s13 =	sadd.s32 $0x2000, s13;
	s2 =	sadd.s32 $0x40, s2  }
0xe9: {  	[tilespmem:s11], [sflag:$0x4] =	stream.indirect_vreg.gather [hbm4b:s7+s3], $0x80, v3, vm0, $0xb8;
	[tilespmem:$0x10200] =	vst v63  }
0xea: {  	_ =	swait.ge [sflag:s22], $0x4000  }
0xeb: {  	[sflag:s22] =	ssyncset.done $0x0  }
0xec: {  	s2 =	rddreg [dreg:$0x9];
	[sflag:s22] =	ssyncadd.s32 $0xFFFFC000  }
0xed: {  	[hbm4b:s2+s3] =	stream.linear.scatter [tilespmem:s23], [sflag:$0x5], $0x4000, $0x38;
	[tilespmem:$0x10200] =	vst v63  }
0xee: {  	_ =	swait.ge [sflag:s24], $0x4000  }
0xef: {  	[sflag:s24] =	ssyncset.done $0x0  }
0xf0: {  	[sflag:s24] =	ssyncadd.s32 $0xFFFFC000  }
0xf1: {  	_ =	swait.ge [sflag:s25], $0x4000  }
0xf2: {  	[sflag:s25] =	ssyncset.done $0x0  }
0xf3: {  	s19 =	rddreg [dreg:$0xa];
	[sflag:s25] =	ssyncadd.s32 $0xFFFFC000  }
0xf4: {  	[hbm4b:s19+s3] =	stream.linear.scatter [tilespmem:s0], [sflag:$0x6], $0x4000, $0x38;
	[tilespmem:$0x10200] =	vst v63  }
0xf5: {  	_ =	swait.ge [sflag:s26], $0x4000  }
0xf6: {  	[sflag:s26] =	ssyncset.done $0x0  }
0xf7: {  	[sflag:s26] =	ssyncadd.s32 $0xFFFFC000  }
0xf8: {  	_ =	swait.ge [sflag:s28], $0x4000  }
0xf9: {  	[sflag:s28] =	ssyncset.done $0x0  }
0xfa: {  	s20 =	rddreg [dreg:$0xb];
	[sflag:s28] =	ssyncadd.s32 $0xFFFFC000  }
0xfb: {  	[hbm4b:s20+s3] =	stream.linear.scatter [tilespmem:s8], [sflag:$0x7], $0x4000, $0x38;
	[tilespmem:$0x10200] =	vst v63  }
0xfc: {  	_ =	swait.ge [sflag:s29], $0x4000  }
0xfd: {  	[sflag:s29] =	ssyncset.done $0x0  }
0xfe: {  	[sflag:s29] =	ssyncadd.s32 $0xFFFFC000  }
0xff: {  	_ =	swait.ge [sflag:s30], $0x4000  }
0x100: {  	[sflag:s30] =	ssyncset.done $0x0  }
0x101: {  	s21 =	rddreg [dreg:$0xc];
	[sflag:s30] =	ssyncadd.s32 $0xFFFFC000  }
0x102: {  	[hbm4b:s21+s3] =	stream.linear.scatter [tilespmem:s12], [sflag:$0x8], $0x4000, $0x38;
	[tilespmem:$0x10200] =	vst v63  }
0x103: {  	_ =	swait.ge [sflag:s31], $0x4000  }
0x104: {  	s4 =	rddreg [dreg:$0xe]  }
0x105: {  	s23 =	rddreg [dreg:$0xd];
	s4 =	sadd.s32 $0x1, s4  }
0x106: {  	p0 =	sne.s32 s4, s23  }
.Ltmp1:
0x107: {  	s9 =	simm.s32 $0x1200;
	s10 =	simm.s32 $0x1A00;
	(pc) =	sbr.rel @p0 .LBB2_1-.Ltmp1, $4  }
0x108: {  	s11 =	simm.s32 $0x2200;
	s13 =	simm.s32 $0x2A00;
	s15 =	simm.s32 $0x3200  }
0x109: {  	s16 =	simm.s32 $0x3A00;
	s17 =	simm.s32 $0x4A00;
	s18 =	simm.s32 $0x5200  }
0x10a: {  	s14 =	simm.s32 $0x6A00;
	s19 =	simm.s32 $0x5A00;
	[sflag:s31] =	ssyncset.done $0x0  }
0x10b: {  	s20 =	simm.s32 $0x6200;
	[sflag:s31] =	ssyncadd.s32 $0xFFFFC000;
	s23 =	simm.s32 $0xA00  }
0x10c: {  	_ =	sfence.sel $0x180000  }
0x10d: {  	[bflag:$0x0] =	sbarrier.arrive $0xFFFF  }
0x10e: {  	_ =	strace $0x90000047  }
0x10f: {  	s0 =	stileid.u32;
	[bflag:$0x2] =	sbarrier.arrive $0xFFFF  }
0x110: {  	p0 =	sne.s32 s0, $0x0;
	s0 =	rddreg [dreg:$0x3]  }
0x111: {  	s0 =	sadd.s32 @!p0 $0x100000, s0  }
0x112: {  	[sflag:s0] =	ssyncadd.tile.s32 @!p0 $0x1;
	_ =	shalt  }
.Lfunc_end2:
_tile_overlayer_lowered:
.L_overlay_start_2:
0x113: {  	(tag) =	ssettag $0x2  }
0x114: {  	s0 =	rddreg [dreg:$0x0];
	s2 =	stileid.u32  }
0x115: {  	s1 =	rddreg [dreg:$0x1];
	p0 =	sne.s32 s2, $0x0  }
0x116: {  	s3 =	rddreg [dreg:$0x2];
	[bflag:$0x3] =	sbarrier.arrive $0xFFFF;
	s2 =	simm.s32 @!p0 $0x1C09  }
0x117: {  	[timem:s3], [sflag:s2] =	dma.local @!p0 [hbm:s0], s1  }
0x118: {  	s0 =	simm.s32 @!p0 $0x9  }
0x119: {  	_ =	swait.ge @!p0 [sflag:s0], s1  }
0x11a: {  	s1 =	ssub.s32 @!p0 $0x0, s1;
	[sflag:s0] =	ssyncset.done @!p0 $0x0  }
0x11b: {  	[sflag:s0] =	ssyncadd.s32 @!p0 s1  }
0x11c: {  	[bflag:$0x3] =	sbarrier.arrive $0xFFFF  }
0x11d: {  	_ =	shalt  }

</sc_bundles>
